<compile_context>
chip_gen: v7x
topology: tpu7x:2x2x1
jax: 0.10.2.dev20260603
libtpu: 0.0.44.dev20260713+nightly
codegen_flags: <defaults>
</compile_context>

<pallas_src>
import functools

import numpy as np
import jax
import jax.numpy as jnp
from jax import lax
from jax.experimental import pallas as pl
from jax.experimental.pallas import tpu as pltpu
from jax.experimental.pallas import tpu_sc as plsc

_SDR = 2048
_CONT = 384
_COLS = 2432
_ROWS_OUT = 4672
_TILE = 16
_NT = _ROWS_OUT // _TILE
_NC = 2
_NS = 16
_NW = _NC * _NS
_NDATA = 8

_ZEROS = np.zeros((_TILE, _COLS), np.float32)


def _tile_offset(t):
    return jnp.where(t < 4, 4032,
                     jnp.where(t < 32, 3520,
                               jnp.where(t < 36, 3008, -576)))


def _sc_body(sdrs, conts, zeros, out, sbuf, cbuf, zbuf,
             gs0, gs1, ws0, ws1, zs):
    wid = lax.axis_index("s") * _NC + lax.axis_index("c")
    gsems = (gs0, gs1)
    wsems = (ws0, ws1)

    def gdesc(k, s):
        t = wid + _NW * k
        src = t * _TILE + _tile_offset(t)
        return [
            pltpu.make_async_copy(sdrs.at[pl.ds(src, _TILE)],
                                  sbuf.at[s], gsems[s]),
            pltpu.make_async_copy(conts.at[pl.ds(src, _TILE)],
                                  cbuf.at[s], gsems[s]),
        ]

    def wdesc(k, s):
        r0 = (wid + _NW * k) * _TILE
        return [
            pltpu.make_async_copy(sbuf.at[s],
                                  out.at[pl.ds(r0, _TILE), pl.ds(0, _SDR)],
                                  wsems[s]),
            pltpu.make_async_copy(cbuf.at[s],
                                  out.at[pl.ds(r0, _TILE), pl.ds(_SDR, _CONT)],
                                  wsems[s]),
        ]

    zcopy = pltpu.make_async_copy(zeros, zbuf, zs)
    zcopy.start()

    for c in gdesc(0, 0):
        c.start()
    for c in gdesc(1, 1):
        c.start()
    for k in range(_NDATA):
        s = k & 1
        for c in gdesc(k, s):
            c.wait()
        for c in wdesc(k, s):
            c.start()
        for c in wdesc(k, s):
            c.wait()
        if k + 2 < _NDATA:
            for c in gdesc(k + 2, s):
                c.start()

    zcopy.wait()
    t8 = wid + _NW * _NDATA

    @pl.when(t8 == 256)
    def _():
        pltpu.sync_copy(zbuf, out.at[pl.ds(4096, _TILE)])
        pltpu.sync_copy(sdrs.at[pl.ds(3520, 1)], sbuf.at[0, pl.ds(0, 1)])
        pltpu.sync_copy(conts.at[pl.ds(3520, 1)], cbuf.at[0, pl.ds(0, 1)])
        pltpu.sync_copy(sbuf.at[0, pl.ds(0, 1)],
                        out.at[pl.ds(4096, 1), pl.ds(0, _SDR)])
        pltpu.sync_copy(cbuf.at[0, pl.ds(0, 1)],
                        out.at[pl.ds(4096, 1), pl.ds(_SDR, _CONT)])

    @pl.when(t8 >= 257)
    def _():
        pltpu.sync_copy(zbuf, out.at[pl.ds(t8 * _TILE, _TILE)])

    t9 = wid + _NW * (_NDATA + 1)

    @pl.when(t9 < _NT)
    def _():
        pltpu.sync_copy(zbuf, out.at[pl.ds(t9 * _TILE, _TILE)])


def kernel(sdrs, contents):
    mesh = plsc.VectorSubcoreMesh(core_axis_name="c", subcore_axis_name="s")
    run = functools.partial(
        pl.kernel,
        mesh=mesh,
        out_type=jax.ShapeDtypeStruct((_ROWS_OUT, _COLS), jnp.float32),
        scratch_types=[
            pltpu.VMEM((2, _TILE, _SDR), jnp.float32),
            pltpu.VMEM((2, _TILE, _CONT), jnp.float32),
            pltpu.VMEM((_TILE, _COLS), jnp.float32),
            pltpu.SemaphoreType.DMA,
            pltpu.SemaphoreType.DMA,
            pltpu.SemaphoreType.DMA,
            pltpu.SemaphoreType.DMA,
            pltpu.SemaphoreType.DMA,
        ],
    )(_sc_body)
    return run(sdrs, contents, _ZEROS)

# --- scband reference (transcript-rebuilt; emitter-appended) ---
"""Pipeline reference for scband-hierarchical-engram-memory-18992345383229 (READ-ONLY COPY).

The authoritative reference and input builder live on the scoring server;
editing this copy changes nothing except your own understanding.
"""

import jax, jax.numpy as jnp
import numpy as np

SDR_SIZE = 2048
CONTENT_DIM = 384
L1_CAP = 64
L2_CAP = 512
L3_CAP = 4096
N = 4096


def setup_inputs(seed: int = 0) -> dict:
    key = jax.random.key(seed)
    k1, k2 = jax.random.split(key)
    sdrs = jax.random.uniform(k1, (N, SDR_SIZE), dtype=jnp.float32)
    contents = jax.random.normal(k2, (N, CONTENT_DIM), dtype=jnp.float32)
    return {"sdrs": sdrs, "contents": contents}


def _forward(sdrs, contents):
    # store_batch: sequential store() calls; inputs detached (stop_gradient)
    sdrs = jax.lax.stop_gradient(sdrs)
    contents = jax.lax.stop_gradient(contents)
    init = (
        jnp.zeros((L1_CAP, SDR_SIZE), jnp.float32), jnp.zeros((L1_CAP, CONTENT_DIM), jnp.float32),
        jnp.zeros((L1_CAP,), jnp.bool_), jnp.int32(0), jnp.int32(0),
        jnp.zeros((L2_CAP, SDR_SIZE), jnp.float32), jnp.zeros((L2_CAP, CONTENT_DIM), jnp.float32),
        jnp.zeros((L2_CAP,), jnp.bool_), jnp.int32(0), jnp.int32(0),
        jnp.zeros((L3_CAP, SDR_SIZE), jnp.float32), jnp.zeros((L3_CAP, CONTENT_DIM), jnp.float32),
        jnp.zeros((L3_CAP,), jnp.bool_), jnp.int32(0), jnp.int32(0),
    )

    def step(state, xs):
        (l1s, l1c, l1v, l1p, l1n,
         l2s, l2c, l2v, l2p, l2n,
         l3s, l3c, l3v, l3p, l3n) = state
        sdr, cont = xs
        # _evict_from_l1_to_l2 when L1 full (count>=cap implies count>0)
        ev1 = l1n >= L1_CAP
        ev_s = l1s[l1p]
        ev_c = l1c[l1p]
        l2s = l2s.at[l2p].set(jnp.where(ev1, ev_s, l2s[l2p]))
        l2c = l2c.at[l2p].set(jnp.where(ev1, ev_c, l2c[l2p]))
        l2v = l2v.at[l2p].set(jnp.where(ev1, True, l2v[l2p]))
        l2p_new = jnp.where(ev1, (l2p + 1) % L2_CAP, l2p)
        l2n_new = jnp.where(ev1, jnp.minimum(l2n + 1, L2_CAP), l2n)
        # _evict_from_l2_to_l3 when L2 full after the L1->L2 write
        ev2 = ev1 & (l2n_new >= L2_CAP)
        ev2_s = l2s[l2p_new]
        ev2_c = l2c[l2p_new]
        l3s = l3s.at[l3p].set(jnp.where(ev2, ev2_s, l3s[l3p]))
        l3c = l3c.at[l3p].set(jnp.where(ev2, ev2_c, l3c[l3p]))
        l3v = l3v.at[l3p].set(jnp.where(ev2, True, l3v[l3p]))
        l3p = jnp.where(ev2, (l3p + 1) % L3_CAP, l3p)
        l3n = jnp.where(ev2, jnp.minimum(l3n + 1, L3_CAP), l3n)
        # store new memory into L1 (overwrites slot just evicted)
        l1s = l1s.at[l1p].set(sdr)
        l1c = l1c.at[l1p].set(cont)
        l1v = l1v.at[l1p].set(True)
        l1p = (l1p + 1) % L1_CAP
        l1n = jnp.minimum(l1n + 1, L1_CAP)
        return (l1s, l1c, l1v, l1p, l1n,
                l2s, l2c, l2v, l2p_new, l2n_new,
                l3s, l3c, l3v, l3p, l3n), None

    state, _ = jax.lax.scan(step, init, (sdrs, contents))
    (l1s, l1c, l1v, l1p, l1n,
     l2s, l2c, l2v, l2p, l2n,
     l3s, l3c, l3v, l3p, l3n) = state
    sdr_all = jnp.concatenate([l1s, l2s, l3s], axis=0)
    cont_all = jnp.concatenate([l1c, l2c, l3c], axis=0)
    return jnp.concatenate([sdr_all, cont_all], axis=1)


def reference(sdrs, contents):
    return _forward(sdrs, contents)

if __name__ == "__main__":
    import jax
    _d = setup_inputs()
    print(jax.jit(kernel)(*tuple(_d.values())))

</pallas_src>

<mosaic_0001>
#map = affine_map<(d0, d1) -> (0, 0)>
module attributes {stable_mosaic.version = 14 : i64} {
  func.func @_sc_body(%arg0: i32, %arg1: i32, %arg2: memref<4096x2048xf32, #tpu.memory_space<hbm>>, %arg3: memref<4096x384xf32, #tpu.memory_space<hbm>>, %arg4: memref<16x2432xf32, #tpu.memory_space<hbm>>, %arg5: memref<4672x2432xf32, #tpu.memory_space<hbm>>, %arg6: memref<2x16x2048xf32, #tpu.memory_space<vmem>>, %arg7: memref<2x16x384xf32, #tpu.memory_space<vmem>>, %arg8: memref<16x2432xf32, #tpu.memory_space<vmem>>, %arg9: memref<!tpu.dma_semaphore, #tpu.memory_space<semaphore_mem>>, %arg10: memref<!tpu.dma_semaphore, #tpu.memory_space<semaphore_mem>>, %arg11: memref<!tpu.dma_semaphore, #tpu.memory_space<semaphore_mem>>, %arg12: memref<!tpu.dma_semaphore, #tpu.memory_space<semaphore_mem>>, %arg13: memref<!tpu.dma_semaphore, #tpu.memory_space<semaphore_mem>>) attributes {dimension_semantics = [#tpu.dimension_semantics<core_parallel>, #tpu.dimension_semantics<subcore_parallel>], iteration_bounds = array<i64: 2, 16>, scalar_prefetch = 0 : i64, scratch_operands = 8 : i64, tpu.core_type = #tpu.core_type<sc_vector_subcore>, window_params = [{transform_indices = #map}, {transform_indices = #map}, {transform_indices = #map}, {transform_indices = #map}]} {
    %mul3A = arith.constant 2 : i32
    %mul3A_0 = arith.muli %arg1, %mul3A : i32
    %add3A = arith.addi %mul3A_0, %arg0 : i32
    tpu.enqueue_dma source(%arg4 : memref<16x2432xf32, #tpu.memory_space<hbm>>) target(%arg8 : memref<16x2432xf32, #tpu.memory_space<vmem>>) target_semaphore(%arg13 : memref<!tpu.dma_semaphore, #tpu.memory_space<semaphore_mem>>)
    %add3A_1 = arith.constant 0 : i32
    %add3A_2 = arith.addi %add3A, %add3A_1 : i32
    %mul3A_3 = arith.constant 16 : i32
    %mul3A_4 = arith.muli %add3A_2, %mul3A_3 : i32
    %lt3A = arith.constant 4 : i32
    %lt3A_5 = arith.cmpi slt, %add3A_2, %lt3A : i32
    %lt3A_6 = arith.constant 32 : i32
    %lt3A_7 = arith.cmpi slt, %add3A_2, %lt3A_6 : i32
    %lt3A_8 = arith.constant 36 : i32
    %lt3A_9 = arith.cmpi slt, %add3A_2, %lt3A_8 : i32
    %jit3A = arith.constant 3008 : i32
    %jit3A_10 = arith.constant -576 : i32
    %select_n3A = arith.select %lt3A_9, %jit3A, %jit3A_10 : i32
    %jit3A_11 = arith.constant 3520 : i32
    %select_n3A_12 = arith.select %lt3A_7, %jit3A_11, %select_n3A : i32
    %jit3A_13 = arith.constant 4032 : i32
    %select_n3A_14 = arith.select %lt3A_5, %jit3A_13, %select_n3A_12 : i32
    %add3A_15 = arith.addi %mul3A_4, %select_n3A_14 : i32
    %dma_start3A = arith.constant 0 : i32
    %dma_start3A_16 = arith.constant 0 : i32
    %dma_start3A_17 = arith.constant 0 : i32
    %dma_start3A_18 = tpu.memref_slice %arg6[%dma_start3A, %dma_start3A_16, %dma_start3A_17] : memref<2x16x2048xf32, #tpu.memory_space<vmem>> -> memref<1x16x2048xf32, #tpu.memory_space<vmem>>
    %dma_start3A_19 = tpu.memref_squeeze %dma_start3A_18 : memref<1x16x2048xf32, #tpu.memory_space<vmem>> -> memref<16x2048xf32, #tpu.memory_space<vmem>>
    %dma_start3A_20 = arith.constant 0 : i32
    %dma_start3A_21 = tpu.memref_slice %arg2[%add3A_15, %dma_start3A_20] : memref<4096x2048xf32, #tpu.memory_space<hbm>> -> memref<16x2048xf32, #tpu.memory_space<hbm>>
    %dma_start3A_22 = arith.constant 0 : i32
    %dma_start3A_23 = arith.constant 0 : i32
    %dma_start3A_24 = tpu.memref_slice %arg6[%dma_start3A, %dma_start3A_22, %dma_start3A_23] : memref<2x16x2048xf32, #tpu.memory_space<vmem>> -> memref<1x16x2048xf32, #tpu.memory_space<vmem>>
    %dma_start3A_25 = tpu.memref_squeeze %dma_start3A_24 : memref<1x16x2048xf32, #tpu.memory_space<vmem>> -> memref<16x2048xf32, #tpu.memory_space<vmem>>
    %dma_start3A_26 = arith.constant 0 : i32
    %dma_start3A_27 = tpu.memref_slice %arg2[%add3A_15, %dma_start3A_26] : memref<4096x2048xf32, #tpu.memory_space<hbm>> -> memref<16x2048xf32, #tpu.memory_space<hbm>>
    tpu.enqueue_dma source(%dma_start3A_27 : memref<16x2048xf32, #tpu.memory_space<hbm>>) target(%dma_start3A_25 : memref<16x2048xf32, #tpu.memory_space<vmem>>) target_semaphore(%arg9 : memref<!tpu.dma_semaphore, #tpu.memory_space<semaphore_mem>>)
    %dma_start3A_28 = arith.constant 0 : i32
    %dma_start3A_29 = arith.constant 0 : i32
    %dma_start3A_30 = arith.constant 0 : i32
    %dma_start3A_31 = tpu.memref_slice %arg7[%dma_start3A_28, %dma_start3A_29, %dma_start3A_30] : memref<2x16x384xf32, #tpu.memory_space<vmem>> -> memref<1x16x384xf32, #tpu.memory_space<vmem>>
    %dma_start3A_32 = tpu.memref_squeeze %dma_start3A_31 : memref<1x16x384xf32, #tpu.memory_space<vmem>> -> memref<16x384xf32, #tpu.memory_space<vmem>>
    %dma_start3A_33 = arith.constant 0 : i32
    %dma_start3A_34 = tpu.memref_slice %arg3[%add3A_15, %dma_start3A_33] : memref<4096x384xf32, #tpu.memory_space<hbm>> -> memref<16x384xf32, #tpu.memory_space<hbm>>
    %dma_start3A_35 = arith.constant 0 : i32
    %dma_start3A_36 = arith.constant 0 : i32
    %dma_start3A_37 = tpu.memref_slice %arg7[%dma_start3A_28, %dma_start3A_35, %dma_start3A_36] : memref<2x16x384xf32, #tpu.memory_space<vmem>> -> memref<1x16x384xf32, #tpu.memory_space<vmem>>
    %dma_start3A_38 = tpu.memref_squeeze %dma_start3A_37 : memref<1x16x384xf32, #tpu.memory_space<vmem>> -> memref<16x384xf32, #tpu.memory_space<vmem>>
    %dma_start3A_39 = arith.constant 0 : i32
    %dma_start3A_40 = tpu.memref_slice %arg3[%add3A_15, %dma_start3A_39] : memref<4096x384xf32, #tpu.memory_space<hbm>> -> memref<16x384xf32, #tpu.memory_space<hbm>>
    tpu.enqueue_dma source(%dma_start3A_40 : memref<16x384xf32, #tpu.memory_space<hbm>>) target(%dma_start3A_38 : memref<16x384xf32, #tpu.memory_space<vmem>>) target_semaphore(%arg9 : memref<!tpu.dma_semaphore, #tpu.memory_space<semaphore_mem>>)
    %add3A_41 = arith.constant 32 : i32
    %add3A_42 = arith.addi %add3A, %add3A_41 : i32
    %mul3A_43 = arith.constant 16 : i32
    %mul3A_44 = arith.muli %add3A_42, %mul3A_43 : i32
    %lt3A_45 = arith.constant 4 : i32
    %lt3A_46 = arith.cmpi slt, %add3A_42, %lt3A_45 : i32
    %lt3A_47 = arith.constant 32 : i32
    %lt3A_48 = arith.cmpi slt, %add3A_42, %lt3A_47 : i32
    %lt3A_49 = arith.constant 36 : i32
    %lt3A_50 = arith.cmpi slt, %add3A_42, %lt3A_49 : i32
    %jit3A_51 = arith.constant 3008 : i32
    %jit3A_52 = arith.constant -576 : i32
    %select_n3A_53 = arith.select %lt3A_50, %jit3A_51, %jit3A_52 : i32
    %jit3A_54 = arith.constant 3520 : i32
    %select_n3A_55 = arith.select %lt3A_48, %jit3A_54, %select_n3A_53 : i32
    %jit3A_56 = arith.constant 4032 : i32
    %select_n3A_57 = arith.select %lt3A_46, %jit3A_56, %select_n3A_55 : i32
    %add3A_58 = arith.addi %mul3A_44, %select_n3A_57 : i32
    %dma_start3A_59 = arith.constant 1 : i32
    %dma_start3A_60 = arith.constant 0 : i32
    %dma_start3A_61 = arith.constant 0 : i32
    %dma_start3A_62 = tpu.memref_slice %arg6[%dma_start3A_59, %dma_start3A_60, %dma_start3A_61] : memref<2x16x2048xf32, #tpu.memory_space<vmem>> -> memref<1x16x2048xf32, #tpu.memory_space<vmem>>
    %dma_start3A_63 = tpu.memref_squeeze %dma_start3A_62 : memref<1x16x2048xf32, #tpu.memory_space<vmem>> -> memref<16x2048xf32, #tpu.memory_space<vmem>>
    %dma_start3A_64 = arith.constant 0 : i32
    %dma_start3A_65 = tpu.memref_slice %arg2[%add3A_58, %dma_start3A_64] : memref<4096x2048xf32, #tpu.memory_space<hbm>> -> memref<16x2048xf32, #tpu.memory_space<hbm>>
    %dma_start3A_66 = arith.constant 0 : i32
    %dma_start3A_67 = arith.constant 0 : i32
    %dma_start3A_68 = tpu.memref_slice %arg6[%dma_start3A_59, %dma_start3A_66, %dma_start3A_67] : memref<2x16x2048xf32, #tpu.memory_space<vmem>> -> memref<1x16x2048xf32, #tpu.memory_space<vmem>>
    %dma_start3A_69 = tpu.memref_squeeze %dma_start3A_68 : memref<1x16x2048xf32, #tpu.memory_space<vmem>> -> memref<16x2048xf32, #tpu.memory_space<vmem>>
    %dma_start3A_70 = arith.constant 0 : i32
    %dma_start3A_71 = tpu.memref_slice %arg2[%add3A_58, %dma_start3A_70] : memref<4096x2048xf32, #tpu.memory_space<hbm>> -> memref<16x2048xf32, #tpu.memory_space<hbm>>
    tpu.enqueue_dma source(%dma_start3A_71 : memref<16x2048xf32, #tpu.memory_space<hbm>>) target(%dma_start3A_69 : memref<16x2048xf32, #tpu.memory_space<vmem>>) target_semaphore(%arg10 : memref<!tpu.dma_semaphore, #tpu.memory_space<semaphore_mem>>)
    %dma_start3A_72 = arith.constant 1 : i32
    %dma_start3A_73 = arith.constant 0 : i32
    %dma_start3A_74 = arith.constant 0 : i32
    %dma_start3A_75 = tpu.memref_slice %arg7[%dma_start3A_72, %dma_start3A_73, %dma_start3A_74] : memref<2x16x384xf32, #tpu.memory_space<vmem>> -> memref<1x16x384xf32, #tpu.memory_space<vmem>>
    %dma_start3A_76 = tpu.memref_squeeze %dma_start3A_75 : memref<1x16x384xf32, #tpu.memory_space<vmem>> -> memref<16x384xf32, #tpu.memory_space<vmem>>
    %dma_start3A_77 = arith.constant 0 : i32
    %dma_start3A_78 = tpu.memref_slice %arg3[%add3A_58, %dma_start3A_77] : memref<4096x384xf32, #tpu.memory_space<hbm>> -> memref<16x384xf32, #tpu.memory_space<hbm>>
    %dma_start3A_79 = arith.constant 0 : i32
    %dma_start3A_80 = arith.constant 0 : i32
    %dma_start3A_81 = tpu.memref_slice %arg7[%dma_start3A_72, %dma_start3A_79, %dma_start3A_80] : memref<2x16x384xf32, #tpu.memory_space<vmem>> -> memref<1x16x384xf32, #tpu.memory_space<vmem>>
    %dma_start3A_82 = tpu.memref_squeeze %dma_start3A_81 : memref<1x16x384xf32, #tpu.memory_space<vmem>> -> memref<16x384xf32, #tpu.memory_space<vmem>>
    %dma_start3A_83 = arith.constant 0 : i32
    %dma_start3A_84 = tpu.memref_slice %arg3[%add3A_58, %dma_start3A_83] : memref<4096x384xf32, #tpu.memory_space<hbm>> -> memref<16x384xf32, #tpu.memory_space<hbm>>
    tpu.enqueue_dma source(%dma_start3A_84 : memref<16x384xf32, #tpu.memory_space<hbm>>) target(%dma_start3A_82 : memref<16x384xf32, #tpu.memory_space<vmem>>) target_semaphore(%arg10 : memref<!tpu.dma_semaphore, #tpu.memory_space<semaphore_mem>>)
    %add3A_85 = arith.constant 0 : i32
    %add3A_86 = arith.addi %add3A, %add3A_85 : i32
    %mul3A_87 = arith.constant 16 : i32
    %mul3A_88 = arith.muli %add3A_86, %mul3A_87 : i32
    %lt3A_89 = arith.constant 4 : i32
    %lt3A_90 = arith.cmpi slt, %add3A_86, %lt3A_89 : i32
    %lt3A_91 = arith.constant 32 : i32
    %lt3A_92 = arith.cmpi slt, %add3A_86, %lt3A_91 : i32
    %lt3A_93 = arith.constant 36 : i32
    %lt3A_94 = arith.cmpi slt, %add3A_86, %lt3A_93 : i32
    %jit3A_95 = arith.constant 3008 : i32
    %jit3A_96 = arith.constant -576 : i32
    %select_n3A_97 = arith.select %lt3A_94, %jit3A_95, %jit3A_96 : i32
    %jit3A_98 = arith.constant 3520 : i32
    %select_n3A_99 = arith.select %lt3A_92, %jit3A_98, %select_n3A_97 : i32
    %jit3A_100 = arith.constant 4032 : i32
    %select_n3A_101 = arith.select %lt3A_90, %jit3A_100, %select_n3A_99 : i32
    %add3A_102 = arith.addi %mul3A_88, %select_n3A_101 : i32
    %dma_wait3A = arith.constant 0 : i32
    %dma_wait3A_103 = arith.constant 0 : i32
    %dma_wait3A_104 = arith.constant 0 : i32
    %dma_wait3A_105 = tpu.memref_slice %arg6[%dma_wait3A, %dma_wait3A_103, %dma_wait3A_104] : memref<2x16x2048xf32, #tpu.memory_space<vmem>> -> memref<1x16x2048xf32, #tpu.memory_space<vmem>>
    %dma_wait3A_106 = tpu.memref_squeeze %dma_wait3A_105 : memref<1x16x2048xf32, #tpu.memory_space<vmem>> -> memref<16x2048xf32, #tpu.memory_space<vmem>>
    %dma_wait3A_107 = arith.constant 0 : i32
    %dma_wait3A_108 = tpu.memref_slice %arg2[%add3A_102, %dma_wait3A_107] : memref<4096x2048xf32, #tpu.memory_space<hbm>> -> memref<16x2048xf32, #tpu.memory_space<hbm>>
    %dma_wait3A_109 = arith.constant 0 : i32
    %dma_wait3A_110 = arith.constant 0 : i32
    %dma_wait3A_111 = tpu.memref_slice %arg6[%dma_wait3A, %dma_wait3A_109, %dma_wait3A_110] : memref<2x16x2048xf32, #tpu.memory_space<vmem>> -> memref<1x16x2048xf32, #tpu.memory_space<vmem>>
    %dma_wait3A_112 = tpu.memref_squeeze %dma_wait3A_111 : memref<1x16x2048xf32, #tpu.memory_space<vmem>> -> memref<16x2048xf32, #tpu.memory_space<vmem>>
    %dma_wait3A_113 = arith.constant 0 : i32
    %dma_wait3A_114 = tpu.memref_slice %arg2[%add3A_102, %dma_wait3A_113] : memref<4096x2048xf32, #tpu.memory_space<hbm>> -> memref<16x2048xf32, #tpu.memory_space<hbm>>
    tpu.wait_dma2 semaphore(%arg9 : memref<!tpu.dma_semaphore, #tpu.memory_space<semaphore_mem>>) src(%dma_wait3A_114 : memref<16x2048xf32, #tpu.memory_space<hbm>>) dst(%dma_wait3A_112 : memref<16x2048xf32, #tpu.memory_space<vmem>>)
    %dma_wait3A_115 = arith.constant 0 : i32
    %dma_wait3A_116 = arith.constant 0 : i32
    %dma_wait3A_117 = arith.constant 0 : i32
    %dma_wait3A_118 = tpu.memref_slice %arg7[%dma_wait3A_115, %dma_wait3A_116, %dma_wait3A_117] : memref<2x16x384xf32, #tpu.memory_space<vmem>> -> memref<1x16x384xf32, #tpu.memory_space<vmem>>
    %dma_wait3A_119 = tpu.memref_squeeze %dma_wait3A_118 : memref<1x16x384xf32, #tpu.memory_space<vmem>> -> memref<16x384xf32, #tpu.memory_space<vmem>>
    %dma_wait3A_120 = arith.constant 0 : i32
    %dma_wait3A_121 = tpu.memref_slice %arg3[%add3A_102, %dma_wait3A_120] : memref<4096x384xf32, #tpu.memory_space<hbm>> -> memref<16x384xf32, #tpu.memory_space<hbm>>
    %dma_wait3A_122 = arith.constant 0 : i32
    %dma_wait3A_123 = arith.constant 0 : i32
    %dma_wait3A_124 = tpu.memref_slice %arg7[%dma_wait3A_115, %dma_wait3A_122, %dma_wait3A_123] : memref<2x16x384xf32, #tpu.memory_space<vmem>> -> memref<1x16x384xf32, #tpu.memory_space<vmem>>
    %dma_wait3A_125 = tpu.memref_squeeze %dma_wait3A_124 : memref<1x16x384xf32, #tpu.memory_space<vmem>> -> memref<16x384xf32, #tpu.memory_space<vmem>>
    %dma_wait3A_126 = arith.constant 0 : i32
    %dma_wait3A_127 = tpu.memref_slice %arg3[%add3A_102, %dma_wait3A_126] : memref<4096x384xf32, #tpu.memory_space<hbm>> -> memref<16x384xf32, #tpu.memory_space<hbm>>
    tpu.wait_dma2 semaphore(%arg9 : memref<!tpu.dma_semaphore, #tpu.memory_space<semaphore_mem>>) src(%dma_wait3A_127 : memref<16x384xf32, #tpu.memory_space<hbm>>) dst(%dma_wait3A_125 : memref<16x384xf32, #tpu.memory_space<vmem>>)
    %add3A_128 = arith.constant 0 : i32
    %add3A_129 = arith.addi %add3A, %add3A_128 : i32
    %mul3A_130 = arith.constant 16 : i32
    %mul3A_131 = arith.muli %add3A_129, %mul3A_130 : i32
    %dma_start3A_132 = arith.constant 0 : i32
    %dma_start3A_133 = arith.constant 0 : i32
    %dma_start3A_134 = arith.constant 0 : i32
    %dma_start3A_135 = tpu.memref_slice %arg6[%dma_start3A_132, %dma_start3A_133, %dma_start3A_134] : memref<2x16x2048xf32, #tpu.memory_space<vmem>> -> memref<1x16x2048xf32, #tpu.memory_space<vmem>>
    %dma_start3A_136 = tpu.memref_squeeze %dma_start3A_135 : memref<1x16x2048xf32, #tpu.memory_space<vmem>> -> memref<16x2048xf32, #tpu.memory_space<vmem>>
    %dma_start3A_137 = arith.constant 0 : i32
    %dma_start3A_138 = tpu.memref_slice %arg5[%mul3A_131, %dma_start3A_137] : memref<4672x2432xf32, #tpu.memory_space<hbm>> -> memref<16x2048xf32, #tpu.memory_space<hbm>>
    %dma_start3A_139 = arith.constant 0 : i32
    %dma_start3A_140 = tpu.memref_slice %arg5[%mul3A_131, %dma_start3A_139] : memref<4672x2432xf32, #tpu.memory_space<hbm>> -> memref<16x2048xf32, #tpu.memory_space<hbm>>
    %dma_start3A_141 = arith.constant 0 : i32
    %dma_start3A_142 = arith.constant 0 : i32
    %dma_start3A_143 = tpu.memref_slice %arg6[%dma_start3A_132, %dma_start3A_141, %dma_start3A_142] : memref<2x16x2048xf32, #tpu.memory_space<vmem>> -> memref<1x16x2048xf32, #tpu.memory_space<vmem>>
    %dma_start3A_144 = tpu.memref_squeeze %dma_start3A_143 : memref<1x16x2048xf32, #tpu.memory_space<vmem>> -> memref<16x2048xf32, #tpu.memory_space<vmem>>
    tpu.enqueue_dma source(%dma_start3A_144 : memref<16x2048xf32, #tpu.memory_space<vmem>>) target(%dma_start3A_140 : memref<16x2048xf32, #tpu.memory_space<hbm>>) target_semaphore(%arg11 : memref<!tpu.dma_semaphore, #tpu.memory_space<semaphore_mem>>)
    %dma_start3A_145 = arith.constant 0 : i32
    %dma_start3A_146 = arith.constant 0 : i32
    %dma_start3A_147 = arith.constant 0 : i32
    %dma_start3A_148 = tpu.memref_slice %arg7[%dma_start3A_145, %dma_start3A_146, %dma_start3A_147] : memref<2x16x384xf32, #tpu.memory_space<vmem>> -> memref<1x16x384xf32, #tpu.memory_space<vmem>>
    %dma_start3A_149 = tpu.memref_squeeze %dma_start3A_148 : memref<1x16x384xf32, #tpu.memory_space<vmem>> -> memref<16x384xf32, #tpu.memory_space<vmem>>
    %dma_start3A_150 = arith.constant 2048 : i32
    %dma_start3A_151 = tpu.memref_slice %arg5[%mul3A_131, %dma_start3A_150] : memref<4672x2432xf32, #tpu.memory_space<hbm>> -> memref<16x384xf32, #tpu.memory_space<hbm>>
    %dma_start3A_152 = arith.constant 2048 : i32
    %dma_start3A_153 = tpu.memref_slice %arg5[%mul3A_131, %dma_start3A_152] : memref<4672x2432xf32, #tpu.memory_space<hbm>> -> memref<16x384xf32, #tpu.memory_space<hbm>>
    %dma_start3A_154 = arith.constant 0 : i32
    %dma_start3A_155 = arith.constant 0 : i32
    %dma_start3A_156 = tpu.memref_slice %arg7[%dma_start3A_145, %dma_start3A_154, %dma_start3A_155] : memref<2x16x384xf32, #tpu.memory_space<vmem>> -> memref<1x16x384xf32, #tpu.memory_space<vmem>>
    %dma_start3A_157 = tpu.memref_squeeze %dma_start3A_156 : memref<1x16x384xf32, #tpu.memory_space<vmem>> -> memref<16x384xf32, #tpu.memory_space<vmem>>
    tpu.enqueue_dma source(%dma_start3A_157 : memref<16x384xf32, #tpu.memory_space<vmem>>) target(%dma_start3A_153 : memref<16x384xf32, #tpu.memory_space<hbm>>) target_semaphore(%arg11 : memref<!tpu.dma_semaphore, #tpu.memory_space<semaphore_mem>>)
    %add3A_158 = arith.constant 0 : i32
    %add3A_159 = arith.addi %add3A, %add3A_158 : i32
    %mul3A_160 = arith.constant 16 : i32
    %mul3A_161 = arith.muli %add3A_159, %mul3A_160 : i32
    %dma_wait3A_162 = arith.constant 0 : i32
    %dma_wait3A_163 = arith.constant 0 : i32
    %dma_wait3A_164 = arith.constant 0 : i32
    %dma_wait3A_165 = tpu.memref_slice %arg6[%dma_wait3A_162, %dma_wait3A_163, %dma_wait3A_164] : memref<2x16x2048xf32, #tpu.memory_space<vmem>> -> memref<1x16x2048xf32, #tpu.memory_space<vmem>>
    %dma_wait3A_166 = tpu.memref_squeeze %dma_wait3A_165 : memref<1x16x2048xf32, #tpu.memory_space<vmem>> -> memref<16x2048xf32, #tpu.memory_space<vmem>>
    %dma_wait3A_167 = arith.constant 0 : i32
    %dma_wait3A_168 = tpu.memref_slice %arg5[%mul3A_161, %dma_wait3A_167] : memref<4672x2432xf32, #tpu.memory_space<hbm>> -> memref<16x2048xf32, #tpu.memory_space<hbm>>
    %dma_wait3A_169 = arith.constant 0 : i32
    %dma_wait3A_170 = tpu.memref_slice %arg5[%mul3A_161, %dma_wait3A_169] : memref<4672x2432xf32, #tpu.memory_space<hbm>> -> memref<16x2048xf32, #tpu.memory_space<hbm>>
    %dma_wait3A_171 = arith.constant 0 : i32
    %dma_wait3A_172 = arith.constant 0 : i32
    %dma_wait3A_173 = tpu.memref_slice %arg6[%dma_wait3A_162, %dma_wait3A_171, %dma_wait3A_172] : memref<2x16x2048xf32, #tpu.memory_space<vmem>> -> memref<1x16x2048xf32, #tpu.memory_space<vmem>>
    %dma_wait3A_174 = tpu.memref_squeeze %dma_wait3A_173 : memref<1x16x2048xf32, #tpu.memory_space<vmem>> -> memref<16x2048xf32, #tpu.memory_space<vmem>>
    tpu.wait_dma2 semaphore(%arg11 : memref<!tpu.dma_semaphore, #tpu.memory_space<semaphore_mem>>) src(%dma_wait3A_174 : memref<16x2048xf32, #tpu.memory_space<vmem>>) dst(%dma_wait3A_170 : memref<16x2048xf32, #tpu.memory_space<hbm>>)
    %dma_wait3A_175 = arith.constant 0 : i32
    %dma_wait3A_176 = arith.constant 0 : i32
    %dma_wait3A_177 = arith.constant 0 : i32
    %dma_wait3A_178 = tpu.memref_slice %arg7[%dma_wait3A_175, %dma_wait3A_176, %dma_wait3A_177] : memref<2x16x384xf32, #tpu.memory_space<vmem>> -> memref<1x16x384xf32, #tpu.memory_space<vmem>>
    %dma_wait3A_179 = tpu.memref_squeeze %dma_wait3A_178 : memref<1x16x384xf32, #tpu.memory_space<vmem>> -> memref<16x384xf32, #tpu.memory_space<vmem>>
    %dma_wait3A_180 = arith.constant 2048 : i32
    %dma_wait3A_181 = tpu.memref_slice %arg5[%mul3A_161, %dma_wait3A_180] : memref<4672x2432xf32, #tpu.memory_space<hbm>> -> memref<16x384xf32, #tpu.memory_space<hbm>>
    %dma_wait3A_182 = arith.constant 2048 : i32
    %dma_wait3A_183 = tpu.memref_slice %arg5[%mul3A_161, %dma_wait3A_182] : memref<4672x2432xf32, #tpu.memory_space<hbm>> -> memref<16x384xf32, #tpu.memory_space<hbm>>
    %dma_wait3A_184 = arith.constant 0 : i32
    %dma_wait3A_185 = arith.constant 0 : i32
    %dma_wait3A_186 = tpu.memref_slice %arg7[%dma_wait3A_175, %dma_wait3A_184, %dma_wait3A_185] : memref<2x16x384xf32, #tpu.memory_space<vmem>> -> memref<1x16x384xf32, #tpu.memory_space<vmem>>
    %dma_wait3A_187 = tpu.memref_squeeze %dma_wait3A_186 : memref<1x16x384xf32, #tpu.memory_space<vmem>> -> memref<16x384xf32, #tpu.memory_space<vmem>>
    tpu.wait_dma2 semaphore(%arg11 : memref<!tpu.dma_semaphore, #tpu.memory_space<semaphore_mem>>) src(%dma_wait3A_187 : memref<16x384xf32, #tpu.memory_space<vmem>>) dst(%dma_wait3A_183 : memref<16x384xf32, #tpu.memory_space<hbm>>)
    %add3A_188 = arith.constant 64 : i32
    %add3A_189 = arith.addi %add3A, %add3A_188 : i32
    %mul3A_190 = arith.constant 16 : i32
    %mul3A_191 = arith.muli %add3A_189, %mul3A_190 : i32
    %lt3A_192 = arith.constant 4 : i32
    %lt3A_193 = arith.cmpi slt, %add3A_189, %lt3A_192 : i32
    %lt3A_194 = arith.constant 32 : i32
    %lt3A_195 = arith.cmpi slt, %add3A_189, %lt3A_194 : i32
    %lt3A_196 = arith.constant 36 : i32
    %lt3A_197 = arith.cmpi slt, %add3A_189, %lt3A_196 : i32
    %jit3A_198 = arith.constant 3008 : i32
    %jit3A_199 = arith.constant -576 : i32
    %select_n3A_200 = arith.select %lt3A_197, %jit3A_198, %jit3A_199 : i32
    %jit3A_201 = arith.constant 3520 : i32
    %select_n3A_202 = arith.select %lt3A_195, %jit3A_201, %select_n3A_200 : i32
    %jit3A_203 = arith.constant 4032 : i32
    %select_n3A_204 = arith.select %lt3A_193, %jit3A_203, %select_n3A_202 : i32
    %add3A_205 = arith.addi %mul3A_191, %select_n3A_204 : i32
    %dma_start3A_206 = arith.constant 0 : i32
    %dma_start3A_207 = arith.constant 0 : i32
    %dma_start3A_208 = arith.constant 0 : i32
    %dma_start3A_209 = tpu.memref_slice %arg6[%dma_start3A_206, %dma_start3A_207, %dma_start3A_208] : memref<2x16x2048xf32, #tpu.memory_space<vmem>> -> memref<1x16x2048xf32, #tpu.memory_space<vmem>>
    %dma_start3A_210 = tpu.memref_squeeze %dma_start3A_209 : memref<1x16x2048xf32, #tpu.memory_space<vmem>> -> memref<16x2048xf32, #tpu.memory_space<vmem>>
    %dma_start3A_211 = arith.constant 0 : i32
    %dma_start3A_212 = tpu.memref_slice %arg2[%add3A_205, %dma_start3A_211] : memref<4096x2048xf32, #tpu.memory_space<hbm>> -> memref<16x2048xf32, #tpu.memory_space<hbm>>
    %dma_start3A_213 = arith.constant 0 : i32
    %dma_start3A_214 = arith.constant 0 : i32
    %dma_start3A_215 = tpu.memref_slice %arg6[%dma_start3A_206, %dma_start3A_213, %dma_start3A_214] : memref<2x16x2048xf32, #tpu.memory_space<vmem>> -> memref<1x16x2048xf32, #tpu.memory_space<vmem>>
    %dma_start3A_216 = tpu.memref_squeeze %dma_start3A_215 : memref<1x16x2048xf32, #tpu.memory_space<vmem>> -> memref<16x2048xf32, #tpu.memory_space<vmem>>
    %dma_start3A_217 = arith.constant 0 : i32
    %dma_start3A_218 = tpu.memref_slice %arg2[%add3A_205, %dma_start3A_217] : memref<4096x2048xf32, #tpu.memory_space<hbm>> -> memref<16x2048xf32, #tpu.memory_space<hbm>>
    tpu.enqueue_dma source(%dma_start3A_218 : memref<16x2048xf32, #tpu.memory_space<hbm>>) target(%dma_start3A_216 : memref<16x2048xf32, #tpu.memory_space<vmem>>) target_semaphore(%arg9 : memref<!tpu.dma_semaphore, #tpu.memory_space<semaphore_mem>>)
    %dma_start3A_219 = arith.constant 0 : i32
    %dma_start3A_220 = arith.constant 0 : i32
    %dma_start3A_221 = arith.constant 0 : i32
    %dma_start3A_222 = tpu.memref_slice %arg7[%dma_start3A_219, %dma_start3A_220, %dma_start3A_221] : memref<2x16x384xf32, #tpu.memory_space<vmem>> -> memref<1x16x384xf32, #tpu.memory_space<vmem>>
    %dma_start3A_223 = tpu.memref_squeeze %dma_start3A_222 : memref<1x16x384xf32, #tpu.memory_space<vmem>> -> memref<16x384xf32, #tpu.memory_space<vmem>>
    %dma_start3A_224 = arith.constant 0 : i32
    %dma_start3A_225 = tpu.memref_slice %arg3[%add3A_205, %dma_start3A_224] : memref<4096x384xf32, #tpu.memory_space<hbm>> -> memref<16x384xf32, #tpu.memory_space<hbm>>
    %dma_start3A_226 = arith.constant 0 : i32
    %dma_start3A_227 = arith.constant 0 : i32
    %dma_start3A_228 = tpu.memref_slice %arg7[%dma_start3A_219, %dma_start3A_226, %dma_start3A_227] : memref<2x16x384xf32, #tpu.memory_space<vmem>> -> memref<1x16x384xf32, #tpu.memory_space<vmem>>
    %dma_start3A_229 = tpu.memref_squeeze %dma_start3A_228 : memref<1x16x384xf32, #tpu.memory_space<vmem>> -> memref<16x384xf32, #tpu.memory_space<vmem>>
    %dma_start3A_230 = arith.constant 0 : i32
    %dma_start3A_231 = tpu.memref_slice %arg3[%add3A_205, %dma_start3A_230] : memref<4096x384xf32, #tpu.memory_space<hbm>> -> memref<16x384xf32, #tpu.memory_space<hbm>>
    tpu.enqueue_dma source(%dma_start3A_231 : memref<16x384xf32, #tpu.memory_space<hbm>>) target(%dma_start3A_229 : memref<16x384xf32, #tpu.memory_space<vmem>>) target_semaphore(%arg9 : memref<!tpu.dma_semaphore, #tpu.memory_space<semaphore_mem>>)
    %add3A_232 = arith.constant 32 : i32
    %add3A_233 = arith.addi %add3A, %add3A_232 : i32
    %mul3A_234 = arith.constant 16 : i32
    %mul3A_235 = arith.muli %add3A_233, %mul3A_234 : i32
    %lt3A_236 = arith.constant 4 : i32
    %lt3A_237 = arith.cmpi slt, %add3A_233, %lt3A_236 : i32
    %lt3A_238 = arith.constant 32 : i32
    %lt3A_239 = arith.cmpi slt, %add3A_233, %lt3A_238 : i32
    %lt3A_240 = arith.constant 36 : i32
    %lt3A_241 = arith.cmpi slt, %add3A_233, %lt3A_240 : i32
    %jit3A_242 = arith.constant 3008 : i32
    %jit3A_243 = arith.constant -576 : i32
    %select_n3A_244 = arith.select %lt3A_241, %jit3A_242, %jit3A_243 : i32
    %jit3A_245 = arith.constant 3520 : i32
    %select_n3A_246 = arith.select %lt3A_239, %jit3A_245, %select_n3A_244 : i32
    %jit3A_247 = arith.constant 4032 : i32
    %select_n3A_248 = arith.select %lt3A_237, %jit3A_247, %select_n3A_246 : i32
    %add3A_249 = arith.addi %mul3A_235, %select_n3A_248 : i32
    %dma_wait3A_250 = arith.constant 1 : i32
    %dma_wait3A_251 = arith.constant 0 : i32
    %dma_wait3A_252 = arith.constant 0 : i32
    %dma_wait3A_253 = tpu.memref_slice %arg6[%dma_wait3A_250, %dma_wait3A_251, %dma_wait3A_252] : memref<2x16x2048xf32, #tpu.memory_space<vmem>> -> memref<1x16x2048xf32, #tpu.memory_space<vmem>>
    %dma_wait3A_254 = tpu.memref_squeeze %dma_wait3A_253 : memref<1x16x2048xf32, #tpu.memory_space<vmem>> -> memref<16x2048xf32, #tpu.memory_space<vmem>>
    %dma_wait3A_255 = arith.constant 0 : i32
    %dma_wait3A_256 = tpu.memref_slice %arg2[%add3A_249, %dma_wait3A_255] : memref<4096x2048xf32, #tpu.memory_space<hbm>> -> memref<16x2048xf32, #tpu.memory_space<hbm>>
    %dma_wait3A_257 = arith.constant 0 : i32
    %dma_wait3A_258 = arith.constant 0 : i32
    %dma_wait3A_259 = tpu.memref_slice %arg6[%dma_wait3A_250, %dma_wait3A_257, %dma_wait3A_258] : memref<2x16x2048xf32, #tpu.memory_space<vmem>> -> memref<1x16x2048xf32, #tpu.memory_space<vmem>>
    %dma_wait3A_260 = tpu.memref_squeeze %dma_wait3A_259 : memref<1x16x2048xf32, #tpu.memory_space<vmem>> -> memref<16x2048xf32, #tpu.memory_space<vmem>>
    %dma_wait3A_261 = arith.constant 0 : i32
    %dma_wait3A_262 = tpu.memref_slice %arg2[%add3A_249, %dma_wait3A_261] : memref<4096x2048xf32, #tpu.memory_space<hbm>> -> memref<16x2048xf32, #tpu.memory_space<hbm>>
    tpu.wait_dma2 semaphore(%arg10 : memref<!tpu.dma_semaphore, #tpu.memory_space<semaphore_mem>>) src(%dma_wait3A_262 : memref<16x2048xf32, #tpu.memory_space<hbm>>) dst(%dma_wait3A_260 : memref<16x2048xf32, #tpu.memory_space<vmem>>)
    %dma_wait3A_263 = arith.constant 1 : i32
    %dma_wait3A_264 = arith.constant 0 : i32
    %dma_wait3A_265 = arith.constant 0 : i32
    %dma_wait3A_266 = tpu.memref_slice %arg7[%dma_wait3A_263, %dma_wait3A_264, %dma_wait3A_265] : memref<2x16x384xf32, #tpu.memory_space<vmem>> -> memref<1x16x384xf32, #tpu.memory_space<vmem>>
    %dma_wait3A_267 = tpu.memref_squeeze %dma_wait3A_266 : memref<1x16x384xf32, #tpu.memory_space<vmem>> -> memref<16x384xf32, #tpu.memory_space<vmem>>
    %dma_wait3A_268 = arith.constant 0 : i32
    %dma_wait3A_269 = tpu.memref_slice %arg3[%add3A_249, %dma_wait3A_268] : memref<4096x384xf32, #tpu.memory_space<hbm>> -> memref<16x384xf32, #tpu.memory_space<hbm>>
    %dma_wait3A_270 = arith.constant 0 : i32
    %dma_wait3A_271 = arith.constant 0 : i32
    %dma_wait3A_272 = tpu.memref_slice %arg7[%dma_wait3A_263, %dma_wait3A_270, %dma_wait3A_271] : memref<2x16x384xf32, #tpu.memory_space<vmem>> -> memref<1x16x384xf32, #tpu.memory_space<vmem>>
    %dma_wait3A_273 = tpu.memref_squeeze %dma_wait3A_272 : memref<1x16x384xf32, #tpu.memory_space<vmem>> -> memref<16x384xf32, #tpu.memory_space<vmem>>
    %dma_wait3A_274 = arith.constant 0 : i32
    %dma_wait3A_275 = tpu.memref_slice %arg3[%add3A_249, %dma_wait3A_274] : memref<4096x384xf32, #tpu.memory_space<hbm>> -> memref<16x384xf32, #tpu.memory_space<hbm>>
    tpu.wait_dma2 semaphore(%arg10 : memref<!tpu.dma_semaphore, #tpu.memory_space<semaphore_mem>>) src(%dma_wait3A_275 : memref<16x384xf32, #tpu.memory_space<hbm>>) dst(%dma_wait3A_273 : memref<16x384xf32, #tpu.memory_space<vmem>>)
    %add3A_276 = arith.constant 32 : i32
    %add3A_277 = arith.addi %add3A, %add3A_276 : i32
    %mul3A_278 = arith.constant 16 : i32
    %mul3A_279 = arith.muli %add3A_277, %mul3A_278 : i32
    %dma_start3A_280 = arith.constant 1 : i32
    %dma_start3A_281 = arith.constant 0 : i32
    %dma_start3A_282 = arith.constant 0 : i32
    %dma_start3A_283 = tpu.memref_slice %arg6[%dma_start3A_280, %dma_start3A_281, %dma_start3A_282] : memref<2x16x2048xf32, #tpu.memory_space<vmem>> -> memref<1x16x2048xf32, #tpu.memory_space<vmem>>
    %dma_start3A_284 = tpu.memref_squeeze %dma_start3A_283 : memref<1x16x2048xf32, #tpu.memory_space<vmem>> -> memref<16x2048xf32, #tpu.memory_space<vmem>>
    %dma_start3A_285 = arith.constant 0 : i32
    %dma_start3A_286 = tpu.memref_slice %arg5[%mul3A_279, %dma_start3A_285] : memref<4672x2432xf32, #tpu.memory_space<hbm>> -> memref<16x2048xf32, #tpu.memory_space<hbm>>
    %dma_start3A_287 = arith.constant 0 : i32
    %dma_start3A_288 = tpu.memref_slice %arg5[%mul3A_279, %dma_start3A_287] : memref<4672x2432xf32, #tpu.memory_space<hbm>> -> memref<16x2048xf32, #tpu.memory_space<hbm>>
    %dma_start3A_289 = arith.constant 0 : i32
    %dma_start3A_290 = arith.constant 0 : i32
    %dma_start3A_291 = tpu.memref_slice %arg6[%dma_start3A_280, %dma_start3A_289, %dma_start3A_290] : memref<2x16x2048xf32, #tpu.memory_space<vmem>> -> memref<1x16x2048xf32, #tpu.memory_space<vmem>>
    %dma_start3A_292 = tpu.memref_squeeze %dma_start3A_291 : memref<1x16x2048xf32, #tpu.memory_space<vmem>> -> memref<16x2048xf32, #tpu.memory_space<vmem>>
    tpu.enqueue_dma source(%dma_start3A_292 : memref<16x2048xf32, #tpu.memory_space<vmem>>) target(%dma_start3A_288 : memref<16x2048xf32, #tpu.memory_space<hbm>>) target_semaphore(%arg12 : memref<!tpu.dma_semaphore, #tpu.memory_space<semaphore_mem>>)
    %dma_start3A_293 = arith.constant 1 : i32
    %dma_start3A_294 = arith.constant 0 : i32
    %dma_start3A_295 = arith.constant 0 : i32
    %dma_start3A_296 = tpu.memref_slice %arg7[%dma_start3A_293, %dma_start3A_294, %dma_start3A_295] : memref<2x16x384xf32, #tpu.memory_space<vmem>> -> memref<1x16x384xf32, #tpu.memory_space<vmem>>
    %dma_start3A_297 = tpu.memref_squeeze %dma_start3A_296 : memref<1x16x384xf32, #tpu.memory_space<vmem>> -> memref<16x384xf32, #tpu.memory_space<vmem>>
    %dma_start3A_298 = arith.constant 2048 : i32
    %dma_start3A_299 = tpu.memref_slice %arg5[%mul3A_279, %dma_start3A_298] : memref<4672x2432xf32, #tpu.memory_space<hbm>> -> memref<16x384xf32, #tpu.memory_space<hbm>>
    %dma_start3A_300 = arith.constant 2048 : i32
    %dma_start3A_301 = tpu.memref_slice %arg5[%mul3A_279, %dma_start3A_300] : memref<4672x2432xf32, #tpu.memory_space<hbm>> -> memref<16x384xf32, #tpu.memory_space<hbm>>
    %dma_start3A_302 = arith.constant 0 : i32
    %dma_start3A_303 = arith.constant 0 : i32
    %dma_start3A_304 = tpu.memref_slice %arg7[%dma_start3A_293, %dma_start3A_302, %dma_start3A_303] : memref<2x16x384xf32, #tpu.memory_space<vmem>> -> memref<1x16x384xf32, #tpu.memory_space<vmem>>
    %dma_start3A_305 = tpu.memref_squeeze %dma_start3A_304 : memref<1x16x384xf32, #tpu.memory_space<vmem>> -> memref<16x384xf32, #tpu.memory_space<vmem>>
    tpu.enqueue_dma source(%dma_start3A_305 : memref<16x384xf32, #tpu.memory_space<vmem>>) target(%dma_start3A_301 : memref<16x384xf32, #tpu.memory_space<hbm>>) target_semaphore(%arg12 : memref<!tpu.dma_semaphore, #tpu.memory_space<semaphore_mem>>)
    %add3A_306 = arith.constant 32 : i32
    %add3A_307 = arith.addi %add3A, %add3A_306 : i32
    %mul3A_308 = arith.constant 16 : i32
    %mul3A_309 = arith.muli %add3A_307, %mul3A_308 : i32
    %dma_wait3A_310 = arith.constant 1 : i32
    %dma_wait3A_311 = arith.constant 0 : i32
    %dma_wait3A_312 = arith.constant 0 : i32
    %dma_wait3A_313 = tpu.memref_slice %arg6[%dma_wait3A_310, %dma_wait3A_311, %dma_wait3A_312] : memref<2x16x2048xf32, #tpu.memory_space<vmem>> -> memref<1x16x2048xf32, #tpu.memory_space<vmem>>
    %dma_wait3A_314 = tpu.memref_squeeze %dma_wait3A_313 : memref<1x16x2048xf32, #tpu.memory_space<vmem>> -> memref<16x2048xf32, #tpu.memory_space<vmem>>
    %dma_wait3A_315 = arith.constant 0 : i32
    %dma_wait3A_316 = tpu.memref_slice %arg5[%mul3A_309, %dma_wait3A_315] : memref<4672x2432xf32, #tpu.memory_space<hbm>> -> memref<16x2048xf32, #tpu.memory_space<hbm>>
    %dma_wait3A_317 = arith.constant 0 : i32
    %dma_wait3A_318 = tpu.memref_slice %arg5[%mul3A_309, %dma_wait3A_317] : memref<4672x2432xf32, #tpu.memory_space<hbm>> -> memref<16x2048xf32, #tpu.memory_space<hbm>>
    %dma_wait3A_319 = arith.constant 0 : i32
    %dma_wait3A_320 = arith.constant 0 : i32
    %dma_wait3A_321 = tpu.memref_slice %arg6[%dma_wait3A_310, %dma_wait3A_319, %dma_wait3A_320] : memref<2x16x2048xf32, #tpu.memory_space<vmem>> -> memref<1x16x2048xf32, #tpu.memory_space<vmem>>
    %dma_wait3A_322 = tpu.memref_squeeze %dma_wait3A_321 : memref<1x16x2048xf32, #tpu.memory_space<vmem>> -> memref<16x2048xf32, #tpu.memory_space<vmem>>
    tpu.wait_dma2 semaphore(%arg12 : memref<!tpu.dma_semaphore, #tpu.memory_space<semaphore_mem>>) src(%dma_wait3A_322 : memref<16x2048xf32, #tpu.memory_space<vmem>>) dst(%dma_wait3A_318 : memref<16x2048xf32, #tpu.memory_space<hbm>>)
    %dma_wait3A_323 = arith.constant 1 : i32
    %dma_wait3A_324 = arith.constant 0 : i32
    %dma_wait3A_325 = arith.constant 0 : i32
    %dma_wait3A_326 = tpu.memref_slice %arg7[%dma_wait3A_323, %dma_wait3A_324, %dma_wait3A_325] : memref<2x16x384xf32, #tpu.memory_space<vmem>> -> memref<1x16x384xf32, #tpu.memory_space<vmem>>
    %dma_wait3A_327 = tpu.memref_squeeze %dma_wait3A_326 : memref<1x16x384xf32, #tpu.memory_space<vmem>> -> memref<16x384xf32, #tpu.memory_space<vmem>>
    %dma_wait3A_328 = arith.constant 2048 : i32
    %dma_wait3A_329 = tpu.memref_slice %arg5[%mul3A_309, %dma_wait3A_328] : memref<4672x2432xf32, #tpu.memory_space<hbm>> -> memref<16x384xf32, #tpu.memory_space<hbm>>
    %dma_wait3A_330 = arith.constant 2048 : i32
    %dma_wait3A_331 = tpu.memref_slice %arg5[%mul3A_309, %dma_wait3A_330] : memref<4672x2432xf32, #tpu.memory_space<hbm>> -> memref<16x384xf32, #tpu.memory_space<hbm>>
    %dma_wait3A_332 = arith.constant 0 : i32
    %dma_wait3A_333 = arith.constant 0 : i32
    %dma_wait3A_334 = tpu.memref_slice %arg7[%dma_wait3A_323, %dma_wait3A_332, %dma_wait3A_333] : memref<2x16x384xf32, #tpu.memory_space<vmem>> -> memref<1x16x384xf32, #tpu.memory_space<vmem>>
    %dma_wait3A_335 = tpu.memref_squeeze %dma_wait3A_334 : memref<1x16x384xf32, #tpu.memory_space<vmem>> -> memref<16x384xf32, #tpu.memory_space<vmem>>
    tpu.wait_dma2 semaphore(%arg12 : memref<!tpu.dma_semaphore, #tpu.memory_space<semaphore_mem>>) src(%dma_wait3A_335 : memref<16x384xf32, #tpu.memory_space<vmem>>) dst(%dma_wait3A_331 : memref<16x384xf32, #tpu.memory_space<hbm>>)
    %add3A_336 = arith.constant 96 : i32
    %add3A_337 = arith.addi %add3A, %add3A_336 : i32
    %mul3A_338 = arith.constant 16 : i32
    %mul3A_339 = arith.muli %add3A_337, %mul3A_338 : i32
    %lt3A_340 = arith.constant 4 : i32
    %lt3A_341 = arith.cmpi slt, %add3A_337, %lt3A_340 : i32
    %lt3A_342 = arith.constant 32 : i32
    %lt3A_343 = arith.cmpi slt, %add3A_337, %lt3A_342 : i32
    %lt3A_344 = arith.constant 36 : i32
    %lt3A_345 = arith.cmpi slt, %add3A_337, %lt3A_344 : i32
    %jit3A_346 = arith.constant 3008 : i32
    %jit3A_347 = arith.constant -576 : i32
    %select_n3A_348 = arith.select %lt3A_345, %jit3A_346, %jit3A_347 : i32
    %jit3A_349 = arith.constant 3520 : i32
    %select_n3A_350 = arith.select %lt3A_343, %jit3A_349, %select_n3A_348 : i32
    %jit3A_351 = arith.constant 4032 : i32
    %select_n3A_352 = arith.select %lt3A_341, %jit3A_351, %select_n3A_350 : i32
    %add3A_353 = arith.addi %mul3A_339, %select_n3A_352 : i32
    %dma_start3A_354 = arith.constant 1 : i32
    %dma_start3A_355 = arith.constant 0 : i32
    %dma_start3A_356 = arith.constant 0 : i32
    %dma_start3A_357 = tpu.memref_slice %arg6[%dma_start3A_354, %dma_start3A_355, %dma_start3A_356] : memref<2x16x2048xf32, #tpu.memory_space<vmem>> -> memref<1x16x2048xf32, #tpu.memory_space<vmem>>
    %dma_start3A_358 = tpu.memref_squeeze %dma_start3A_357 : memref<1x16x2048xf32, #tpu.memory_space<vmem>> -> memref<16x2048xf32, #tpu.memory_space<vmem>>
    %dma_start3A_359 = arith.constant 0 : i32
    %dma_start3A_360 = tpu.memref_slice %arg2[%add3A_353, %dma_start3A_359] : memref<4096x2048xf32, #tpu.memory_space<hbm>> -> memref<16x2048xf32, #tpu.memory_space<hbm>>
    %dma_start3A_361 = arith.constant 0 : i32
    %dma_start3A_362 = arith.constant 0 : i32
    %dma_start3A_363 = tpu.memref_slice %arg6[%dma_start3A_354, %dma_start3A_361, %dma_start3A_362] : memref<2x16x2048xf32, #tpu.memory_space<vmem>> -> memref<1x16x2048xf32, #tpu.memory_space<vmem>>
    %dma_start3A_364 = tpu.memref_squeeze %dma_start3A_363 : memref<1x16x2048xf32, #tpu.memory_space<vmem>> -> memref<16x2048xf32, #tpu.memory_space<vmem>>
    %dma_start3A_365 = arith.constant 0 : i32
    %dma_start3A_366 = tpu.memref_slice %arg2[%add3A_353, %dma_start3A_365] : memref<4096x2048xf32, #tpu.memory_space<hbm>> -> memref<16x2048xf32, #tpu.memory_space<hbm>>
    tpu.enqueue_dma source(%dma_start3A_366 : memref<16x2048xf32, #tpu.memory_space<hbm>>) target(%dma_start3A_364 : memref<16x2048xf32, #tpu.memory_space<vmem>>) target_semaphore(%arg10 : memref<!tpu.dma_semaphore, #tpu.memory_space<semaphore_mem>>)
    %dma_start3A_367 = arith.constant 1 : i32
    %dma_start3A_368 = arith.constant 0 : i32
    %dma_start3A_369 = arith.constant 0 : i32
    %dma_start3A_370 = tpu.memref_slice %arg7[%dma_start3A_367, %dma_start3A_368, %dma_start3A_369] : memref<2x16x384xf32, #tpu.memory_space<vmem>> -> memref<1x16x384xf32, #tpu.memory_space<vmem>>
    %dma_start3A_371 = tpu.memref_squeeze %dma_start3A_370 : memref<1x16x384xf32, #tpu.memory_space<vmem>> -> memref<16x384xf32, #tpu.memory_space<vmem>>
    %dma_start3A_372 = arith.constant 0 : i32
    %dma_start3A_373 = tpu.memref_slice %arg3[%add3A_353, %dma_start3A_372] : memref<4096x384xf32, #tpu.memory_space<hbm>> -> memref<16x384xf32, #tpu.memory_space<hbm>>
    %dma_start3A_374 = arith.constant 0 : i32
    %dma_start3A_375 = arith.constant 0 : i32
    %dma_start3A_376 = tpu.memref_slice %arg7[%dma_start3A_367, %dma_start3A_374, %dma_start3A_375] : memref<2x16x384xf32, #tpu.memory_space<vmem>> -> memref<1x16x384xf32, #tpu.memory_space<vmem>>
    %dma_start3A_377 = tpu.memref_squeeze %dma_start3A_376 : memref<1x16x384xf32, #tpu.memory_space<vmem>> -> memref<16x384xf32, #tpu.memory_space<vmem>>
    %dma_start3A_378 = arith.constant 0 : i32
    %dma_start3A_379 = tpu.memref_slice %arg3[%add3A_353, %dma_start3A_378] : memref<4096x384xf32, #tpu.memory_space<hbm>> -> memref<16x384xf32, #tpu.memory_space<hbm>>
    tpu.enqueue_dma source(%dma_start3A_379 : memref<16x384xf32, #tpu.memory_space<hbm>>) target(%dma_start3A_377 : memref<16x384xf32, #tpu.memory_space<vmem>>) target_semaphore(%arg10 : memref<!tpu.dma_semaphore, #tpu.memory_space<semaphore_mem>>)
    %add3A_380 = arith.constant 64 : i32
    %add3A_381 = arith.addi %add3A, %add3A_380 : i32
    %mul3A_382 = arith.constant 16 : i32
    %mul3A_383 = arith.muli %add3A_381, %mul3A_382 : i32
    %lt3A_384 = arith.constant 4 : i32
    %lt3A_385 = arith.cmpi slt, %add3A_381, %lt3A_384 : i32
    %lt3A_386 = arith.constant 32 : i32
    %lt3A_387 = arith.cmpi slt, %add3A_381, %lt3A_386 : i32
    %lt3A_388 = arith.constant 36 : i32
    %lt3A_389 = arith.cmpi slt, %add3A_381, %lt3A_388 : i32
    %jit3A_390 = arith.constant 3008 : i32
    %jit3A_391 = arith.constant -576 : i32
    %select_n3A_392 = arith.select %lt3A_389, %jit3A_390, %jit3A_391 : i32
    %jit3A_393 = arith.constant 3520 : i32
    %select_n3A_394 = arith.select %lt3A_387, %jit3A_393, %select_n3A_392 : i32
    %jit3A_395 = arith.constant 4032 : i32
    %select_n3A_396 = arith.select %lt3A_385, %jit3A_395, %select_n3A_394 : i32
    %add3A_397 = arith.addi %mul3A_383, %select_n3A_396 : i32
    %dma_wait3A_398 = arith.constant 0 : i32
    %dma_wait3A_399 = arith.constant 0 : i32
    %dma_wait3A_400 = arith.constant 0 : i32
    %dma_wait3A_401 = tpu.memref_slice %arg6[%dma_wait3A_398, %dma_wait3A_399, %dma_wait3A_400] : memref<2x16x2048xf32, #tpu.memory_space<vmem>> -> memref<1x16x2048xf32, #tpu.memory_space<vmem>>
    %dma_wait3A_402 = tpu.memref_squeeze %dma_wait3A_401 : memref<1x16x2048xf32, #tpu.memory_space<vmem>> -> memref<16x2048xf32, #tpu.memory_space<vmem>>
    %dma_wait3A_403 = arith.constant 0 : i32
    %dma_wait3A_404 = tpu.memref_slice %arg2[%add3A_397, %dma_wait3A_403] : memref<4096x2048xf32, #tpu.memory_space<hbm>> -> memref<16x2048xf32, #tpu.memory_space<hbm>>
    %dma_wait3A_405 = arith.constant 0 : i32
    %dma_wait3A_406 = arith.constant 0 : i32
    %dma_wait3A_407 = tpu.memref_slice %arg6[%dma_wait3A_398, %dma_wait3A_405, %dma_wait3A_406] : memref<2x16x2048xf32, #tpu.memory_space<vmem>> -> memref<1x16x2048xf32, #tpu.memory_space<vmem>>
    %dma_wait3A_408 = tpu.memref_squeeze %dma_wait3A_407 : memref<1x16x2048xf32, #tpu.memory_space<vmem>> -> memref<16x2048xf32, #tpu.memory_space<vmem>>
    %dma_wait3A_409 = arith.constant 0 : i32
    %dma_wait3A_410 = tpu.memref_slice %arg2[%add3A_397, %dma_wait3A_409] : memref<4096x2048xf32, #tpu.memory_space<hbm>> -> memref<16x2048xf32, #tpu.memory_space<hbm>>
    tpu.wait_dma2 semaphore(%arg9 : memref<!tpu.dma_semaphore, #tpu.memory_space<semaphore_mem>>) src(%dma_wait3A_410 : memref<16x2048xf32, #tpu.memory_space<hbm>>) dst(%dma_wait3A_408 : memref<16x2048xf32, #tpu.memory_space<vmem>>)
    %dma_wait3A_411 = arith.constant 0 : i32
    %dma_wait3A_412 = arith.constant 0 : i32
    %dma_wait3A_413 = arith.constant 0 : i32
    %dma_wait3A_414 = tpu.memref_slice %arg7[%dma_wait3A_411, %dma_wait3A_412, %dma_wait3A_413] : memref<2x16x384xf32, #tpu.memory_space<vmem>> -> memref<1x16x384xf32, #tpu.memory_space<vmem>>
    %dma_wait3A_415 = tpu.memref_squeeze %dma_wait3A_414 : memref<1x16x384xf32, #tpu.memory_space<vmem>> -> memref<16x384xf32, #tpu.memory_space<vmem>>
    %dma_wait3A_416 = arith.constant 0 : i32
    %dma_wait3A_417 = tpu.memref_slice %arg3[%add3A_397, %dma_wait3A_416] : memref<4096x384xf32, #tpu.memory_space<hbm>> -> memref<16x384xf32, #tpu.memory_space<hbm>>
    %dma_wait3A_418 = arith.constant 0 : i32
    %dma_wait3A_419 = arith.constant 0 : i32
    %dma_wait3A_420 = tpu.memref_slice %arg7[%dma_wait3A_411, %dma_wait3A_418, %dma_wait3A_419] : memref<2x16x384xf32, #tpu.memory_space<vmem>> -> memref<1x16x384xf32, #tpu.memory_space<vmem>>
    %dma_wait3A_421 = tpu.memref_squeeze %dma_wait3A_420 : memref<1x16x384xf32, #tpu.memory_space<vmem>> -> memref<16x384xf32, #tpu.memory_space<vmem>>
    %dma_wait3A_422 = arith.constant 0 : i32
    %dma_wait3A_423 = tpu.memref_slice %arg3[%add3A_397, %dma_wait3A_422] : memref<4096x384xf32, #tpu.memory_space<hbm>> -> memref<16x384xf32, #tpu.memory_space<hbm>>
    tpu.wait_dma2 semaphore(%arg9 : memref<!tpu.dma_semaphore, #tpu.memory_space<semaphore_mem>>) src(%dma_wait3A_423 : memref<16x384xf32, #tpu.memory_space<hbm>>) dst(%dma_wait3A_421 : memref<16x384xf32, #tpu.memory_space<vmem>>)
    %add3A_424 = arith.constant 64 : i32
    %add3A_425 = arith.addi %add3A, %add3A_424 : i32
    %mul3A_426 = arith.constant 16 : i32
    %mul3A_427 = arith.muli %add3A_425, %mul3A_426 : i32
    %dma_start3A_428 = arith.constant 0 : i32
    %dma_start3A_429 = arith.constant 0 : i32
    %dma_start3A_430 = arith.constant 0 : i32
    %dma_start3A_431 = tpu.memref_slice %arg6[%dma_start3A_428, %dma_start3A_429, %dma_start3A_430] : memref<2x16x2048xf32, #tpu.memory_space<vmem>> -> memref<1x16x2048xf32, #tpu.memory_space<vmem>>
    %dma_start3A_432 = tpu.memref_squeeze %dma_start3A_431 : memref<1x16x2048xf32, #tpu.memory_space<vmem>> -> memref<16x2048xf32, #tpu.memory_space<vmem>>
    %dma_start3A_433 = arith.constant 0 : i32
    %dma_start3A_434 = tpu.memref_slice %arg5[%mul3A_427, %dma_start3A_433] : memref<4672x2432xf32, #tpu.memory_space<hbm>> -> memref<16x2048xf32, #tpu.memory_space<hbm>>
    %dma_start3A_435 = arith.constant 0 : i32
    %dma_start3A_436 = tpu.memref_slice %arg5[%mul3A_427, %dma_start3A_435] : memref<4672x2432xf32, #tpu.memory_space<hbm>> -> memref<16x2048xf32, #tpu.memory_space<hbm>>
    %dma_start3A_437 = arith.constant 0 : i32
    %dma_start3A_438 = arith.constant 0 : i32
    %dma_start3A_439 = tpu.memref_slice %arg6[%dma_start3A_428, %dma_start3A_437, %dma_start3A_438] : memref<2x16x2048xf32, #tpu.memory_space<vmem>> -> memref<1x16x2048xf32, #tpu.memory_space<vmem>>
    %dma_start3A_440 = tpu.memref_squeeze %dma_start3A_439 : memref<1x16x2048xf32, #tpu.memory_space<vmem>> -> memref<16x2048xf32, #tpu.memory_space<vmem>>
    tpu.enqueue_dma source(%dma_start3A_440 : memref<16x2048xf32, #tpu.memory_space<vmem>>) target(%dma_start3A_436 : memref<16x2048xf32, #tpu.memory_space<hbm>>) target_semaphore(%arg11 : memref<!tpu.dma_semaphore, #tpu.memory_space<semaphore_mem>>)
    %dma_start3A_441 = arith.constant 0 : i32
    %dma_start3A_442 = arith.constant 0 : i32
    %dma_start3A_443 = arith.constant 0 : i32
    %dma_start3A_444 = tpu.memref_slice %arg7[%dma_start3A_441, %dma_start3A_442, %dma_start3A_443] : memref<2x16x384xf32, #tpu.memory_space<vmem>> -> memref<1x16x384xf32, #tpu.memory_space<vmem>>
    %dma_start3A_445 = tpu.memref_squeeze %dma_start3A_444 : memref<1x16x384xf32, #tpu.memory_space<vmem>> -> memref<16x384xf32, #tpu.memory_space<vmem>>
    %dma_start3A_446 = arith.constant 2048 : i32
    %dma_start3A_447 = tpu.memref_slice %arg5[%mul3A_427, %dma_start3A_446] : memref<4672x2432xf32, #tpu.memory_space<hbm>> -> memref<16x384xf32, #tpu.memory_space<hbm>>
    %dma_start3A_448 = arith.constant 2048 : i32
    %dma_start3A_449 = tpu.memref_slice %arg5[%mul3A_427, %dma_start3A_448] : memref<4672x2432xf32, #tpu.memory_space<hbm>> -> memref<16x384xf32, #tpu.memory_space<hbm>>
    %dma_start3A_450 = arith.constant 0 : i32
    %dma_start3A_451 = arith.constant 0 : i32
    %dma_start3A_452 = tpu.memref_slice %arg7[%dma_start3A_441, %dma_start3A_450, %dma_start3A_451] : memref<2x16x384xf32, #tpu.memory_space<vmem>> -> memref<1x16x384xf32, #tpu.memory_space<vmem>>
    %dma_start3A_453 = tpu.memref_squeeze %dma_start3A_452 : memref<1x16x384xf32, #tpu.memory_space<vmem>> -> memref<16x384xf32, #tpu.memory_space<vmem>>
    tpu.enqueue_dma source(%dma_start3A_453 : memref<16x384xf32, #tpu.memory_space<vmem>>) target(%dma_start3A_449 : memref<16x384xf32, #tpu.memory_space<hbm>>) target_semaphore(%arg11 : memref<!tpu.dma_semaphore, #tpu.memory_space<semaphore_mem>>)
    %add3A_454 = arith.constant 64 : i32
    %add3A_455 = arith.addi %add3A, %add3A_454 : i32
    %mul3A_456 = arith.constant 16 : i32
    %mul3A_457 = arith.muli %add3A_455, %mul3A_456 : i32
    %dma_wait3A_458 = arith.constant 0 : i32
    %dma_wait3A_459 = arith.constant 0 : i32
    %dma_wait3A_460 = arith.constant 0 : i32
    %dma_wait3A_461 = tpu.memref_slice %arg6[%dma_wait3A_458, %dma_wait3A_459, %dma_wait3A_460] : memref<2x16x2048xf32, #tpu.memory_space<vmem>> -> memref<1x16x2048xf32, #tpu.memory_space<vmem>>
    %dma_wait3A_462 = tpu.memref_squeeze %dma_wait3A_461 : memref<1x16x2048xf32, #tpu.memory_space<vmem>> -> memref<16x2048xf32, #tpu.memory_space<vmem>>
    %dma_wait3A_463 = arith.constant 0 : i32
    %dma_wait3A_464 = tpu.memref_slice %arg5[%mul3A_457, %dma_wait3A_463] : memref<4672x2432xf32, #tpu.memory_space<hbm>> -> memref<16x2048xf32, #tpu.memory_space<hbm>>
    %dma_wait3A_465 = arith.constant 0 : i32
    %dma_wait3A_466 = tpu.memref_slice %arg5[%mul3A_457, %dma_wait3A_465] : memref<4672x2432xf32, #tpu.memory_space<hbm>> -> memref<16x2048xf32, #tpu.memory_space<hbm>>
    %dma_wait3A_467 = arith.constant 0 : i32
    %dma_wait3A_468 = arith.constant 0 : i32
    %dma_wait3A_469 = tpu.memref_slice %arg6[%dma_wait3A_458, %dma_wait3A_467, %dma_wait3A_468] : memref<2x16x2048xf32, #tpu.memory_space<vmem>> -> memref<1x16x2048xf32, #tpu.memory_space<vmem>>
    %dma_wait3A_470 = tpu.memref_squeeze %dma_wait3A_469 : memref<1x16x2048xf32, #tpu.memory_space<vmem>> -> memref<16x2048xf32, #tpu.memory_space<vmem>>
    tpu.wait_dma2 semaphore(%arg11 : memref<!tpu.dma_semaphore, #tpu.memory_space<semaphore_mem>>) src(%dma_wait3A_470 : memref<16x2048xf32, #tpu.memory_space<vmem>>) dst(%dma_wait3A_466 : memref<16x2048xf32, #tpu.memory_space<hbm>>)
    %dma_wait3A_471 = arith.constant 0 : i32
    %dma_wait3A_472 = arith.constant 0 : i32
    %dma_wait3A_473 = arith.constant 0 : i32
    %dma_wait3A_474 = tpu.memref_slice %arg7[%dma_wait3A_471, %dma_wait3A_472, %dma_wait3A_473] : memref<2x16x384xf32, #tpu.memory_space<vmem>> -> memref<1x16x384xf32, #tpu.memory_space<vmem>>
    %dma_wait3A_475 = tpu.memref_squeeze %dma_wait3A_474 : memref<1x16x384xf32, #tpu.memory_space<vmem>> -> memref<16x384xf32, #tpu.memory_space<vmem>>
    %dma_wait3A_476 = arith.constant 2048 : i32
    %dma_wait3A_477 = tpu.memref_slice %arg5[%mul3A_457, %dma_wait3A_476] : memref<4672x2432xf32, #tpu.memory_space<hbm>> -> memref<16x384xf32, #tpu.memory_space<hbm>>
    %dma_wait3A_478 = arith.constant 2048 : i32
    %dma_wait3A_479 = tpu.memref_slice %arg5[%mul3A_457, %dma_wait3A_478] : memref<4672x2432xf32, #tpu.memory_space<hbm>> -> memref<16x384xf32, #tpu.memory_space<hbm>>
    %dma_wait3A_480 = arith.constant 0 : i32
    %dma_wait3A_481 = arith.constant 0 : i32
    %dma_wait3A_482 = tpu.memref_slice %arg7[%dma_wait3A_471, %dma_wait3A_480, %dma_wait3A_481] : memref<2x16x384xf32, #tpu.memory_space<vmem>> -> memref<1x16x384xf32, #tpu.memory_space<vmem>>
    %dma_wait3A_483 = tpu.memref_squeeze %dma_wait3A_482 : memref<1x16x384xf32, #tpu.memory_space<vmem>> -> memref<16x384xf32, #tpu.memory_space<vmem>>
    tpu.wait_dma2 semaphore(%arg11 : memref<!tpu.dma_semaphore, #tpu.memory_space<semaphore_mem>>) src(%dma_wait3A_483 : memref<16x384xf32, #tpu.memory_space<vmem>>) dst(%dma_wait3A_479 : memref<16x384xf32, #tpu.memory_space<hbm>>)
    %add3A_484 = arith.constant 128 : i32
    %add3A_485 = arith.addi %add3A, %add3A_484 : i32
    %mul3A_486 = arith.constant 16 : i32
    %mul3A_487 = arith.muli %add3A_485, %mul3A_486 : i32
    %lt3A_488 = arith.constant 4 : i32
    %lt3A_489 = arith.cmpi slt, %add3A_485, %lt3A_488 : i32
    %lt3A_490 = arith.constant 32 : i32
    %lt3A_491 = arith.cmpi slt, %add3A_485, %lt3A_490 : i32
    %lt3A_492 = arith.constant 36 : i32
    %lt3A_493 = arith.cmpi slt, %add3A_485, %lt3A_492 : i32
    %jit3A_494 = arith.constant 3008 : i32
    %jit3A_495 = arith.constant -576 : i32
    %select_n3A_496 = arith.select %lt3A_493, %jit3A_494, %jit3A_495 : i32
    %jit3A_497 = arith.constant 3520 : i32
    %select_n3A_498 = arith.select %lt3A_491, %jit3A_497, %select_n3A_496 : i32
    %jit3A_499 = arith.constant 4032 : i32
    %select_n3A_500 = arith.select %lt3A_489, %jit3A_499, %select_n3A_498 : i32
    %add3A_501 = arith.addi %mul3A_487, %select_n3A_500 : i32
    %dma_start3A_502 = arith.constant 0 : i32
    %dma_start3A_503 = arith.constant 0 : i32
    %dma_start3A_504 = arith.constant 0 : i32
    %dma_start3A_505 = tpu.memref_slice %arg6[%dma_start3A_502, %dma_start3A_503, %dma_start3A_504] : memref<2x16x2048xf32, #tpu.memory_space<vmem>> -> memref<1x16x2048xf32, #tpu.memory_space<vmem>>
    %dma_start3A_506 = tpu.memref_squeeze %dma_start3A_505 : memref<1x16x2048xf32, #tpu.memory_space<vmem>> -> memref<16x2048xf32, #tpu.memory_space<vmem>>
    %dma_start3A_507 = arith.constant 0 : i32
    %dma_start3A_508 = tpu.memref_slice %arg2[%add3A_501, %dma_start3A_507] : memref<4096x2048xf32, #tpu.memory_space<hbm>> -> memref<16x2048xf32, #tpu.memory_space<hbm>>
    %dma_start3A_509 = arith.constant 0 : i32
    %dma_start3A_510 = arith.constant 0 : i32
    %dma_start3A_511 = tpu.memref_slice %arg6[%dma_start3A_502, %dma_start3A_509, %dma_start3A_510] : memref<2x16x2048xf32, #tpu.memory_space<vmem>> -> memref<1x16x2048xf32, #tpu.memory_space<vmem>>
    %dma_start3A_512 = tpu.memref_squeeze %dma_start3A_511 : memref<1x16x2048xf32, #tpu.memory_space<vmem>> -> memref<16x2048xf32, #tpu.memory_space<vmem>>
    %dma_start3A_513 = arith.constant 0 : i32
    %dma_start3A_514 = tpu.memref_slice %arg2[%add3A_501, %dma_start3A_513] : memref<4096x2048xf32, #tpu.memory_space<hbm>> -> memref<16x2048xf32, #tpu.memory_space<hbm>>
    tpu.enqueue_dma source(%dma_start3A_514 : memref<16x2048xf32, #tpu.memory_space<hbm>>) target(%dma_start3A_512 : memref<16x2048xf32, #tpu.memory_space<vmem>>) target_semaphore(%arg9 : memref<!tpu.dma_semaphore, #tpu.memory_space<semaphore_mem>>)
    %dma_start3A_515 = arith.constant 0 : i32
    %dma_start3A_516 = arith.constant 0 : i32
    %dma_start3A_517 = arith.constant 0 : i32
    %dma_start3A_518 = tpu.memref_slice %arg7[%dma_start3A_515, %dma_start3A_516, %dma_start3A_517] : memref<2x16x384xf32, #tpu.memory_space<vmem>> -> memref<1x16x384xf32, #tpu.memory_space<vmem>>
    %dma_start3A_519 = tpu.memref_squeeze %dma_start3A_518 : memref<1x16x384xf32, #tpu.memory_space<vmem>> -> memref<16x384xf32, #tpu.memory_space<vmem>>
    %dma_start3A_520 = arith.constant 0 : i32
    %dma_start3A_521 = tpu.memref_slice %arg3[%add3A_501, %dma_start3A_520] : memref<4096x384xf32, #tpu.memory_space<hbm>> -> memref<16x384xf32, #tpu.memory_space<hbm>>
    %dma_start3A_522 = arith.constant 0 : i32
    %dma_start3A_523 = arith.constant 0 : i32
    %dma_start3A_524 = tpu.memref_slice %arg7[%dma_start3A_515, %dma_start3A_522, %dma_start3A_523] : memref<2x16x384xf32, #tpu.memory_space<vmem>> -> memref<1x16x384xf32, #tpu.memory_space<vmem>>
    %dma_start3A_525 = tpu.memref_squeeze %dma_start3A_524 : memref<1x16x384xf32, #tpu.memory_space<vmem>> -> memref<16x384xf32, #tpu.memory_space<vmem>>
    %dma_start3A_526 = arith.constant 0 : i32
    %dma_start3A_527 = tpu.memref_slice %arg3[%add3A_501, %dma_start3A_526] : memref<4096x384xf32, #tpu.memory_space<hbm>> -> memref<16x384xf32, #tpu.memory_space<hbm>>
    tpu.enqueue_dma source(%dma_start3A_527 : memref<16x384xf32, #tpu.memory_space<hbm>>) target(%dma_start3A_525 : memref<16x384xf32, #tpu.memory_space<vmem>>) target_semaphore(%arg9 : memref<!tpu.dma_semaphore, #tpu.memory_space<semaphore_mem>>)
    %add3A_528 = arith.constant 96 : i32
    %add3A_529 = arith.addi %add3A, %add3A_528 : i32
    %mul3A_530 = arith.constant 16 : i32
    %mul3A_531 = arith.muli %add3A_529, %mul3A_530 : i32
    %lt3A_532 = arith.constant 4 : i32
    %lt3A_533 = arith.cmpi slt, %add3A_529, %lt3A_532 : i32
    %lt3A_534 = arith.constant 32 : i32
    %lt3A_535 = arith.cmpi slt, %add3A_529, %lt3A_534 : i32
    %lt3A_536 = arith.constant 36 : i32
    %lt3A_537 = arith.cmpi slt, %add3A_529, %lt3A_536 : i32
    %jit3A_538 = arith.constant 3008 : i32
    %jit3A_539 = arith.constant -576 : i32
    %select_n3A_540 = arith.select %lt3A_537, %jit3A_538, %jit3A_539 : i32
    %jit3A_541 = arith.constant 3520 : i32
    %select_n3A_542 = arith.select %lt3A_535, %jit3A_541, %select_n3A_540 : i32
    %jit3A_543 = arith.constant 4032 : i32
    %select_n3A_544 = arith.select %lt3A_533, %jit3A_543, %select_n3A_542 : i32
    %add3A_545 = arith.addi %mul3A_531, %select_n3A_544 : i32
    %dma_wait3A_546 = arith.constant 1 : i32
    %dma_wait3A_547 = arith.constant 0 : i32
    %dma_wait3A_548 = arith.constant 0 : i32
    %dma_wait3A_549 = tpu.memref_slice %arg6[%dma_wait3A_546, %dma_wait3A_547, %dma_wait3A_548] : memref<2x16x2048xf32, #tpu.memory_space<vmem>> -> memref<1x16x2048xf32, #tpu.memory_space<vmem>>
    %dma_wait3A_550 = tpu.memref_squeeze %dma_wait3A_549 : memref<1x16x2048xf32, #tpu.memory_space<vmem>> -> memref<16x2048xf32, #tpu.memory_space<vmem>>
    %dma_wait3A_551 = arith.constant 0 : i32
    %dma_wait3A_552 = tpu.memref_slice %arg2[%add3A_545, %dma_wait3A_551] : memref<4096x2048xf32, #tpu.memory_space<hbm>> -> memref<16x2048xf32, #tpu.memory_space<hbm>>
    %dma_wait3A_553 = arith.constant 0 : i32
    %dma_wait3A_554 = arith.constant 0 : i32
    %dma_wait3A_555 = tpu.memref_slice %arg6[%dma_wait3A_546, %dma_wait3A_553, %dma_wait3A_554] : memref<2x16x2048xf32, #tpu.memory_space<vmem>> -> memref<1x16x2048xf32, #tpu.memory_space<vmem>>
    %dma_wait3A_556 = tpu.memref_squeeze %dma_wait3A_555 : memref<1x16x2048xf32, #tpu.memory_space<vmem>> -> memref<16x2048xf32, #tpu.memory_space<vmem>>
    %dma_wait3A_557 = arith.constant 0 : i32
    %dma_wait3A_558 = tpu.memref_slice %arg2[%add3A_545, %dma_wait3A_557] : memref<4096x2048xf32, #tpu.memory_space<hbm>> -> memref<16x2048xf32, #tpu.memory_space<hbm>>
    tpu.wait_dma2 semaphore(%arg10 : memref<!tpu.dma_semaphore, #tpu.memory_space<semaphore_mem>>) src(%dma_wait3A_558 : memref<16x2048xf32, #tpu.memory_space<hbm>>) dst(%dma_wait3A_556 : memref<16x2048xf32, #tpu.memory_space<vmem>>)
    %dma_wait3A_559 = arith.constant 1 : i32
    %dma_wait3A_560 = arith.constant 0 : i32
    %dma_wait3A_561 = arith.constant 0 : i32
    %dma_wait3A_562 = tpu.memref_slice %arg7[%dma_wait3A_559, %dma_wait3A_560, %dma_wait3A_561] : memref<2x16x384xf32, #tpu.memory_space<vmem>> -> memref<1x16x384xf32, #tpu.memory_space<vmem>>
    %dma_wait3A_563 = tpu.memref_squeeze %dma_wait3A_562 : memref<1x16x384xf32, #tpu.memory_space<vmem>> -> memref<16x384xf32, #tpu.memory_space<vmem>>
    %dma_wait3A_564 = arith.constant 0 : i32
    %dma_wait3A_565 = tpu.memref_slice %arg3[%add3A_545, %dma_wait3A_564] : memref<4096x384xf32, #tpu.memory_space<hbm>> -> memref<16x384xf32, #tpu.memory_space<hbm>>
    %dma_wait3A_566 = arith.constant 0 : i32
    %dma_wait3A_567 = arith.constant 0 : i32
    %dma_wait3A_568 = tpu.memref_slice %arg7[%dma_wait3A_559, %dma_wait3A_566, %dma_wait3A_567] : memref<2x16x384xf32, #tpu.memory_space<vmem>> -> memref<1x16x384xf32, #tpu.memory_space<vmem>>
    %dma_wait3A_569 = tpu.memref_squeeze %dma_wait3A_568 : memref<1x16x384xf32, #tpu.memory_space<vmem>> -> memref<16x384xf32, #tpu.memory_space<vmem>>
    %dma_wait3A_570 = arith.constant 0 : i32
    %dma_wait3A_571 = tpu.memref_slice %arg3[%add3A_545, %dma_wait3A_570] : memref<4096x384xf32, #tpu.memory_space<hbm>> -> memref<16x384xf32, #tpu.memory_space<hbm>>
    tpu.wait_dma2 semaphore(%arg10 : memref<!tpu.dma_semaphore, #tpu.memory_space<semaphore_mem>>) src(%dma_wait3A_571 : memref<16x384xf32, #tpu.memory_space<hbm>>) dst(%dma_wait3A_569 : memref<16x384xf32, #tpu.memory_space<vmem>>)
    %add3A_572 = arith.constant 96 : i32
    %add3A_573 = arith.addi %add3A, %add3A_572 : i32
    %mul3A_574 = arith.constant 16 : i32
    %mul3A_575 = arith.muli %add3A_573, %mul3A_574 : i32
    %dma_start3A_576 = arith.constant 1 : i32
    %dma_start3A_577 = arith.constant 0 : i32
    %dma_start3A_578 = arith.constant 0 : i32
    %dma_start3A_579 = tpu.memref_slice %arg6[%dma_start3A_576, %dma_start3A_577, %dma_start3A_578] : memref<2x16x2048xf32, #tpu.memory_space<vmem>> -> memref<1x16x2048xf32, #tpu.memory_space<vmem>>
    %dma_start3A_580 = tpu.memref_squeeze %dma_start3A_579 : memref<1x16x2048xf32, #tpu.memory_space<vmem>> -> memref<16x2048xf32, #tpu.memory_space<vmem>>
    %dma_start3A_581 = arith.constant 0 : i32
    %dma_start3A_582 = tpu.memref_slice %arg5[%mul3A_575, %dma_start3A_581] : memref<4672x2432xf32, #tpu.memory_space<hbm>> -> memref<16x2048xf32, #tpu.memory_space<hbm>>
    %dma_start3A_583 = arith.constant 0 : i32
    %dma_start3A_584 = tpu.memref_slice %arg5[%mul3A_575, %dma_start3A_583] : memref<4672x2432xf32, #tpu.memory_space<hbm>> -> memref<16x2048xf32, #tpu.memory_space<hbm>>
    %dma_start3A_585 = arith.constant 0 : i32
    %dma_start3A_586 = arith.constant 0 : i32
    %dma_start3A_587 = tpu.memref_slice %arg6[%dma_start3A_576, %dma_start3A_585, %dma_start3A_586] : memref<2x16x2048xf32, #tpu.memory_space<vmem>> -> memref<1x16x2048xf32, #tpu.memory_space<vmem>>
    %dma_start3A_588 = tpu.memref_squeeze %dma_start3A_587 : memref<1x16x2048xf32, #tpu.memory_space<vmem>> -> memref<16x2048xf32, #tpu.memory_space<vmem>>
    tpu.enqueue_dma source(%dma_start3A_588 : memref<16x2048xf32, #tpu.memory_space<vmem>>) target(%dma_start3A_584 : memref<16x2048xf32, #tpu.memory_space<hbm>>) target_semaphore(%arg12 : memref<!tpu.dma_semaphore, #tpu.memory_space<semaphore_mem>>)
    %dma_start3A_589 = arith.constant 1 : i32
    %dma_start3A_590 = arith.constant 0 : i32
    %dma_start3A_591 = arith.constant 0 : i32
    %dma_start3A_592 = tpu.memref_slice %arg7[%dma_start3A_589, %dma_start3A_590, %dma_start3A_591] : memref<2x16x384xf32, #tpu.memory_space<vmem>> -> memref<1x16x384xf32, #tpu.memory_space<vmem>>
    %dma_start3A_593 = tpu.memref_squeeze %dma_start3A_592 : memref<1x16x384xf32, #tpu.memory_space<vmem>> -> memref<16x384xf32, #tpu.memory_space<vmem>>
    %dma_start3A_594 = arith.constant 2048 : i32
    %dma_start3A_595 = tpu.memref_slice %arg5[%mul3A_575, %dma_start3A_594] : memref<4672x2432xf32, #tpu.memory_space<hbm>> -> memref<16x384xf32, #tpu.memory_space<hbm>>
    %dma_start3A_596 = arith.constant 2048 : i32
    %dma_start3A_597 = tpu.memref_slice %arg5[%mul3A_575, %dma_start3A_596] : memref<4672x2432xf32, #tpu.memory_space<hbm>> -> memref<16x384xf32, #tpu.memory_space<hbm>>
    %dma_start3A_598 = arith.constant 0 : i32
    %dma_start3A_599 = arith.constant 0 : i32
    %dma_start3A_600 = tpu.memref_slice %arg7[%dma_start3A_589, %dma_start3A_598, %dma_start3A_599] : memref<2x16x384xf32, #tpu.memory_space<vmem>> -> memref<1x16x384xf32, #tpu.memory_space<vmem>>
    %dma_start3A_601 = tpu.memref_squeeze %dma_start3A_600 : memref<1x16x384xf32, #tpu.memory_space<vmem>> -> memref<16x384xf32, #tpu.memory_space<vmem>>
    tpu.enqueue_dma source(%dma_start3A_601 : memref<16x384xf32, #tpu.memory_space<vmem>>) target(%dma_start3A_597 : memref<16x384xf32, #tpu.memory_space<hbm>>) target_semaphore(%arg12 : memref<!tpu.dma_semaphore, #tpu.memory_space<semaphore_mem>>)
    %add3A_602 = arith.constant 96 : i32
    %add3A_603 = arith.addi %add3A, %add3A_602 : i32
    %mul3A_604 = arith.constant 16 : i32
    %mul3A_605 = arith.muli %add3A_603, %mul3A_604 : i32
    %dma_wait3A_606 = arith.constant 1 : i32
    %dma_wait3A_607 = arith.constant 0 : i32
    %dma_wait3A_608 = arith.constant 0 : i32
    %dma_wait3A_609 = tpu.memref_slice %arg6[%dma_wait3A_606, %dma_wait3A_607, %dma_wait3A_608] : memref<2x16x2048xf32, #tpu.memory_space<vmem>> -> memref<1x16x2048xf32, #tpu.memory_space<vmem>>
    %dma_wait3A_610 = tpu.memref_squeeze %dma_wait3A_609 : memref<1x16x2048xf32, #tpu.memory_space<vmem>> -> memref<16x2048xf32, #tpu.memory_space<vmem>>
    %dma_wait3A_611 = arith.constant 0 : i32
    %dma_wait3A_612 = tpu.memref_slice %arg5[%mul3A_605, %dma_wait3A_611] : memref<4672x2432xf32, #tpu.memory_space<hbm>> -> memref<16x2048xf32, #tpu.memory_space<hbm>>
    %dma_wait3A_613 = arith.constant 0 : i32
    %dma_wait3A_614 = tpu.memref_slice %arg5[%mul3A_605, %dma_wait3A_613] : memref<4672x2432xf32, #tpu.memory_space<hbm>> -> memref<16x2048xf32, #tpu.memory_space<hbm>>
    %dma_wait3A_615 = arith.constant 0 : i32
    %dma_wait3A_616 = arith.constant 0 : i32
    %dma_wait3A_617 = tpu.memref_slice %arg6[%dma_wait3A_606, %dma_wait3A_615, %dma_wait3A_616] : memref<2x16x2048xf32, #tpu.memory_space<vmem>> -> memref<1x16x2048xf32, #tpu.memory_space<vmem>>
    %dma_wait3A_618 = tpu.memref_squeeze %dma_wait3A_617 : memref<1x16x2048xf32, #tpu.memory_space<vmem>> -> memref<16x2048xf32, #tpu.memory_space<vmem>>
    tpu.wait_dma2 semaphore(%arg12 : memref<!tpu.dma_semaphore, #tpu.memory_space<semaphore_mem>>) src(%dma_wait3A_618 : memref<16x2048xf32, #tpu.memory_space<vmem>>) dst(%dma_wait3A_614 : memref<16x2048xf32, #tpu.memory_space<hbm>>)
    %dma_wait3A_619 = arith.constant 1 : i32
    %dma_wait3A_620 = arith.constant 0 : i32
    %dma_wait3A_621 = arith.constant 0 : i32
    %dma_wait3A_622 = tpu.memref_slice %arg7[%dma_wait3A_619, %dma_wait3A_620, %dma_wait3A_621] : memref<2x16x384xf32, #tpu.memory_space<vmem>> -> memref<1x16x384xf32, #tpu.memory_space<vmem>>
    %dma_wait3A_623 = tpu.memref_squeeze %dma_wait3A_622 : memref<1x16x384xf32, #tpu.memory_space<vmem>> -> memref<16x384xf32, #tpu.memory_space<vmem>>
    %dma_wait3A_624 = arith.constant 2048 : i32
    %dma_wait3A_625 = tpu.memref_slice %arg5[%mul3A_605, %dma_wait3A_624] : memref<4672x2432xf32, #tpu.memory_space<hbm>> -> memref<16x384xf32, #tpu.memory_space<hbm>>
    %dma_wait3A_626 = arith.constant 2048 : i32
    %dma_wait3A_627 = tpu.memref_slice %arg5[%mul3A_605, %dma_wait3A_626] : memref<4672x2432xf32, #tpu.memory_space<hbm>> -> memref<16x384xf32, #tpu.memory_space<hbm>>
    %dma_wait3A_628 = arith.constant 0 : i32
    %dma_wait3A_629 = arith.constant 0 : i32
    %dma_wait3A_630 = tpu.memref_slice %arg7[%dma_wait3A_619, %dma_wait3A_628, %dma_wait3A_629] : memref<2x16x384xf32, #tpu.memory_space<vmem>> -> memref<1x16x384xf32, #tpu.memory_space<vmem>>
    %dma_wait3A_631 = tpu.memref_squeeze %dma_wait3A_630 : memref<1x16x384xf32, #tpu.memory_space<vmem>> -> memref<16x384xf32, #tpu.memory_space<vmem>>
    tpu.wait_dma2 semaphore(%arg12 : memref<!tpu.dma_semaphore, #tpu.memory_space<semaphore_mem>>) src(%dma_wait3A_631 : memref<16x384xf32, #tpu.memory_space<vmem>>) dst(%dma_wait3A_627 : memref<16x384xf32, #tpu.memory_space<hbm>>)
    %add3A_632 = arith.constant 160 : i32
    %add3A_633 = arith.addi %add3A, %add3A_632 : i32
    %mul3A_634 = arith.constant 16 : i32
    %mul3A_635 = arith.muli %add3A_633, %mul3A_634 : i32
    %lt3A_636 = arith.constant 4 : i32
    %lt3A_637 = arith.cmpi slt, %add3A_633, %lt3A_636 : i32
    %lt3A_638 = arith.constant 32 : i32
    %lt3A_639 = arith.cmpi slt, %add3A_633, %lt3A_638 : i32
    %lt3A_640 = arith.constant 36 : i32
    %lt3A_641 = arith.cmpi slt, %add3A_633, %lt3A_640 : i32
    %jit3A_642 = arith.constant 3008 : i32
    %jit3A_643 = arith.constant -576 : i32
    %select_n3A_644 = arith.select %lt3A_641, %jit3A_642, %jit3A_643 : i32
    %jit3A_645 = arith.constant 3520 : i32
    %select_n3A_646 = arith.select %lt3A_639, %jit3A_645, %select_n3A_644 : i32
    %jit3A_647 = arith.constant 4032 : i32
    %select_n3A_648 = arith.select %lt3A_637, %jit3A_647, %select_n3A_646 : i32
    %add3A_649 = arith.addi %mul3A_635, %select_n3A_648 : i32
    %dma_start3A_650 = arith.constant 1 : i32
    %dma_start3A_651 = arith.constant 0 : i32
    %dma_start3A_652 = arith.constant 0 : i32
    %dma_start3A_653 = tpu.memref_slice %arg6[%dma_start3A_650, %dma_start3A_651, %dma_start3A_652] : memref<2x16x2048xf32, #tpu.memory_space<vmem>> -> memref<1x16x2048xf32, #tpu.memory_space<vmem>>
    %dma_start3A_654 = tpu.memref_squeeze %dma_start3A_653 : memref<1x16x2048xf32, #tpu.memory_space<vmem>> -> memref<16x2048xf32, #tpu.memory_space<vmem>>
    %dma_start3A_655 = arith.constant 0 : i32
    %dma_start3A_656 = tpu.memref_slice %arg2[%add3A_649, %dma_start3A_655] : memref<4096x2048xf32, #tpu.memory_space<hbm>> -> memref<16x2048xf32, #tpu.memory_space<hbm>>
    %dma_start3A_657 = arith.constant 0 : i32
    %dma_start3A_658 = arith.constant 0 : i32
    %dma_start3A_659 = tpu.memref_slice %arg6[%dma_start3A_650, %dma_start3A_657, %dma_start3A_658] : memref<2x16x2048xf32, #tpu.memory_space<vmem>> -> memref<1x16x2048xf32, #tpu.memory_space<vmem>>
    %dma_start3A_660 = tpu.memref_squeeze %dma_start3A_659 : memref<1x16x2048xf32, #tpu.memory_space<vmem>> -> memref<16x2048xf32, #tpu.memory_space<vmem>>
    %dma_start3A_661 = arith.constant 0 : i32
    %dma_start3A_662 = tpu.memref_slice %arg2[%add3A_649, %dma_start3A_661] : memref<4096x2048xf32, #tpu.memory_space<hbm>> -> memref<16x2048xf32, #tpu.memory_space<hbm>>
    tpu.enqueue_dma source(%dma_start3A_662 : memref<16x2048xf32, #tpu.memory_space<hbm>>) target(%dma_start3A_660 : memref<16x2048xf32, #tpu.memory_space<vmem>>) target_semaphore(%arg10 : memref<!tpu.dma_semaphore, #tpu.memory_space<semaphore_mem>>)
    %dma_start3A_663 = arith.constant 1 : i32
    %dma_start3A_664 = arith.constant 0 : i32
    %dma_start3A_665 = arith.constant 0 : i32
    %dma_start3A_666 = tpu.memref_slice %arg7[%dma_start3A_663, %dma_start3A_664, %dma_start3A_665] : memref<2x16x384xf32, #tpu.memory_space<vmem>> -> memref<1x16x384xf32, #tpu.memory_space<vmem>>
    %dma_start3A_667 = tpu.memref_squeeze %dma_start3A_666 : memref<1x16x384xf32, #tpu.memory_space<vmem>> -> memref<16x384xf32, #tpu.memory_space<vmem>>
    %dma_start3A_668 = arith.constant 0 : i32
    %dma_start3A_669 = tpu.memref_slice %arg3[%add3A_649, %dma_start3A_668] : memref<4096x384xf32, #tpu.memory_space<hbm>> -> memref<16x384xf32, #tpu.memory_space<hbm>>
    %dma_start3A_670 = arith.constant 0 : i32
    %dma_start3A_671 = arith.constant 0 : i32
    %dma_start3A_672 = tpu.memref_slice %arg7[%dma_start3A_663, %dma_start3A_670, %dma_start3A_671] : memref<2x16x384xf32, #tpu.memory_space<vmem>> -> memref<1x16x384xf32, #tpu.memory_space<vmem>>
    %dma_start3A_673 = tpu.memref_squeeze %dma_start3A_672 : memref<1x16x384xf32, #tpu.memory_space<vmem>> -> memref<16x384xf32, #tpu.memory_space<vmem>>
    %dma_start3A_674 = arith.constant 0 : i32
    %dma_start3A_675 = tpu.memref_slice %arg3[%add3A_649, %dma_start3A_674] : memref<4096x384xf32, #tpu.memory_space<hbm>> -> memref<16x384xf32, #tpu.memory_space<hbm>>
    tpu.enqueue_dma source(%dma_start3A_675 : memref<16x384xf32, #tpu.memory_space<hbm>>) target(%dma_start3A_673 : memref<16x384xf32, #tpu.memory_space<vmem>>) target_semaphore(%arg10 : memref<!tpu.dma_semaphore, #tpu.memory_space<semaphore_mem>>)
    %add3A_676 = arith.constant 128 : i32
    %add3A_677 = arith.addi %add3A, %add3A_676 : i32
    %mul3A_678 = arith.constant 16 : i32
    %mul3A_679 = arith.muli %add3A_677, %mul3A_678 : i32
    %lt3A_680 = arith.constant 4 : i32
    %lt3A_681 = arith.cmpi slt, %add3A_677, %lt3A_680 : i32
    %lt3A_682 = arith.constant 32 : i32
    %lt3A_683 = arith.cmpi slt, %add3A_677, %lt3A_682 : i32
    %lt3A_684 = arith.constant 36 : i32
    %lt3A_685 = arith.cmpi slt, %add3A_677, %lt3A_684 : i32
    %jit3A_686 = arith.constant 3008 : i32
    %jit3A_687 = arith.constant -576 : i32
    %select_n3A_688 = arith.select %lt3A_685, %jit3A_686, %jit3A_687 : i32
    %jit3A_689 = arith.constant 3520 : i32
    %select_n3A_690 = arith.select %lt3A_683, %jit3A_689, %select_n3A_688 : i32
    %jit3A_691 = arith.constant 4032 : i32
    %select_n3A_692 = arith.select %lt3A_681, %jit3A_691, %select_n3A_690 : i32
    %add3A_693 = arith.addi %mul3A_679, %select_n3A_692 : i32
    %dma_wait3A_694 = arith.constant 0 : i32
    %dma_wait3A_695 = arith.constant 0 : i32
    %dma_wait3A_696 = arith.constant 0 : i32
    %dma_wait3A_697 = tpu.memref_slice %arg6[%dma_wait3A_694, %dma_wait3A_695, %dma_wait3A_696] : memref<2x16x2048xf32, #tpu.memory_space<vmem>> -> memref<1x16x2048xf32, #tpu.memory_space<vmem>>
    %dma_wait3A_698 = tpu.memref_squeeze %dma_wait3A_697 : memref<1x16x2048xf32, #tpu.memory_space<vmem>> -> memref<16x2048xf32, #tpu.memory_space<vmem>>
    %dma_wait3A_699 = arith.constant 0 : i32
    %dma_wait3A_700 = tpu.memref_slice %arg2[%add3A_693, %dma_wait3A_699] : memref<4096x2048xf32, #tpu.memory_space<hbm>> -> memref<16x2048xf32, #tpu.memory_space<hbm>>
    %dma_wait3A_701 = arith.constant 0 : i32
    %dma_wait3A_702 = arith.constant 0 : i32
    %dma_wait3A_703 = tpu.memref_slice %arg6[%dma_wait3A_694, %dma_wait3A_701, %dma_wait3A_702] : memref<2x16x2048xf32, #tpu.memory_space<vmem>> -> memref<1x16x2048xf32, #tpu.memory_space<vmem>>
    %dma_wait3A_704 = tpu.memref_squeeze %dma_wait3A_703 : memref<1x16x2048xf32, #tpu.memory_space<vmem>> -> memref<16x2048xf32, #tpu.memory_space<vmem>>
    %dma_wait3A_705 = arith.constant 0 : i32
    %dma_wait3A_706 = tpu.memref_slice %arg2[%add3A_693, %dma_wait3A_705] : memref<4096x2048xf32, #tpu.memory_space<hbm>> -> memref<16x2048xf32, #tpu.memory_space<hbm>>
    tpu.wait_dma2 semaphore(%arg9 : memref<!tpu.dma_semaphore, #tpu.memory_space<semaphore_mem>>) src(%dma_wait3A_706 : memref<16x2048xf32, #tpu.memory_space<hbm>>) dst(%dma_wait3A_704 : memref<16x2048xf32, #tpu.memory_space<vmem>>)
    %dma_wait3A_707 = arith.constant 0 : i32
    %dma_wait3A_708 = arith.constant 0 : i32
    %dma_wait3A_709 = arith.constant 0 : i32
    %dma_wait3A_710 = tpu.memref_slice %arg7[%dma_wait3A_707, %dma_wait3A_708, %dma_wait3A_709] : memref<2x16x384xf32, #tpu.memory_space<vmem>> -> memref<1x16x384xf32, #tpu.memory_space<vmem>>
    %dma_wait3A_711 = tpu.memref_squeeze %dma_wait3A_710 : memref<1x16x384xf32, #tpu.memory_space<vmem>> -> memref<16x384xf32, #tpu.memory_space<vmem>>
    %dma_wait3A_712 = arith.constant 0 : i32
    %dma_wait3A_713 = tpu.memref_slice %arg3[%add3A_693, %dma_wait3A_712] : memref<4096x384xf32, #tpu.memory_space<hbm>> -> memref<16x384xf32, #tpu.memory_space<hbm>>
    %dma_wait3A_714 = arith.constant 0 : i32
    %dma_wait3A_715 = arith.constant 0 : i32
    %dma_wait3A_716 = tpu.memref_slice %arg7[%dma_wait3A_707, %dma_wait3A_714, %dma_wait3A_715] : memref<2x16x384xf32, #tpu.memory_space<vmem>> -> memref<1x16x384xf32, #tpu.memory_space<vmem>>
    %dma_wait3A_717 = tpu.memref_squeeze %dma_wait3A_716 : memref<1x16x384xf32, #tpu.memory_space<vmem>> -> memref<16x384xf32, #tpu.memory_space<vmem>>
    %dma_wait3A_718 = arith.constant 0 : i32
    %dma_wait3A_719 = tpu.memref_slice %arg3[%add3A_693, %dma_wait3A_718] : memref<4096x384xf32, #tpu.memory_space<hbm>> -> memref<16x384xf32, #tpu.memory_space<hbm>>
    tpu.wait_dma2 semaphore(%arg9 : memref<!tpu.dma_semaphore, #tpu.memory_space<semaphore_mem>>) src(%dma_wait3A_719 : memref<16x384xf32, #tpu.memory_space<hbm>>) dst(%dma_wait3A_717 : memref<16x384xf32, #tpu.memory_space<vmem>>)
    %add3A_720 = arith.constant 128 : i32
    %add3A_721 = arith.addi %add3A, %add3A_720 : i32
    %mul3A_722 = arith.constant 16 : i32
    %mul3A_723 = arith.muli %add3A_721, %mul3A_722 : i32
    %dma_start3A_724 = arith.constant 0 : i32
    %dma_start3A_725 = arith.constant 0 : i32
    %dma_start3A_726 = arith.constant 0 : i32
    %dma_start3A_727 = tpu.memref_slice %arg6[%dma_start3A_724, %dma_start3A_725, %dma_start3A_726] : memref<2x16x2048xf32, #tpu.memory_space<vmem>> -> memref<1x16x2048xf32, #tpu.memory_space<vmem>>
    %dma_start3A_728 = tpu.memref_squeeze %dma_start3A_727 : memref<1x16x2048xf32, #tpu.memory_space<vmem>> -> memref<16x2048xf32, #tpu.memory_space<vmem>>
    %dma_start3A_729 = arith.constant 0 : i32
    %dma_start3A_730 = tpu.memref_slice %arg5[%mul3A_723, %dma_start3A_729] : memref<4672x2432xf32, #tpu.memory_space<hbm>> -> memref<16x2048xf32, #tpu.memory_space<hbm>>
    %dma_start3A_731 = arith.constant 0 : i32
    %dma_start3A_732 = tpu.memref_slice %arg5[%mul3A_723, %dma_start3A_731] : memref<4672x2432xf32, #tpu.memory_space<hbm>> -> memref<16x2048xf32, #tpu.memory_space<hbm>>
    %dma_start3A_733 = arith.constant 0 : i32
    %dma_start3A_734 = arith.constant 0 : i32
    %dma_start3A_735 = tpu.memref_slice %arg6[%dma_start3A_724, %dma_start3A_733, %dma_start3A_734] : memref<2x16x2048xf32, #tpu.memory_space<vmem>> -> memref<1x16x2048xf32, #tpu.memory_space<vmem>>
    %dma_start3A_736 = tpu.memref_squeeze %dma_start3A_735 : memref<1x16x2048xf32, #tpu.memory_space<vmem>> -> memref<16x2048xf32, #tpu.memory_space<vmem>>
    tpu.enqueue_dma source(%dma_start3A_736 : memref<16x2048xf32, #tpu.memory_space<vmem>>) target(%dma_start3A_732 : memref<16x2048xf32, #tpu.memory_space<hbm>>) target_semaphore(%arg11 : memref<!tpu.dma_semaphore, #tpu.memory_space<semaphore_mem>>)
    %dma_start3A_737 = arith.constant 0 : i32
    %dma_start3A_738 = arith.constant 0 : i32
    %dma_start3A_739 = arith.constant 0 : i32
    %dma_start3A_740 = tpu.memref_slice %arg7[%dma_start3A_737, %dma_start3A_738, %dma_start3A_739] : memref<2x16x384xf32, #tpu.memory_space<vmem>> -> memref<1x16x384xf32, #tpu.memory_space<vmem>>
    %dma_start3A_741 = tpu.memref_squeeze %dma_start3A_740 : memref<1x16x384xf32, #tpu.memory_space<vmem>> -> memref<16x384xf32, #tpu.memory_space<vmem>>
    %dma_start3A_742 = arith.constant 2048 : i32
    %dma_start3A_743 = tpu.memref_slice %arg5[%mul3A_723, %dma_start3A_742] : memref<4672x2432xf32, #tpu.memory_space<hbm>> -> memref<16x384xf32, #tpu.memory_space<hbm>>
    %dma_start3A_744 = arith.constant 2048 : i32
    %dma_start3A_745 = tpu.memref_slice %arg5[%mul3A_723, %dma_start3A_744] : memref<4672x2432xf32, #tpu.memory_space<hbm>> -> memref<16x384xf32, #tpu.memory_space<hbm>>
    %dma_start3A_746 = arith.constant 0 : i32
    %dma_start3A_747 = arith.constant 0 : i32
    %dma_start3A_748 = tpu.memref_slice %arg7[%dma_start3A_737, %dma_start3A_746, %dma_start3A_747] : memref<2x16x384xf32, #tpu.memory_space<vmem>> -> memref<1x16x384xf32, #tpu.memory_space<vmem>>
    %dma_start3A_749 = tpu.memref_squeeze %dma_start3A_748 : memref<1x16x384xf32, #tpu.memory_space<vmem>> -> memref<16x384xf32, #tpu.memory_space<vmem>>
    tpu.enqueue_dma source(%dma_start3A_749 : memref<16x384xf32, #tpu.memory_space<vmem>>) target(%dma_start3A_745 : memref<16x384xf32, #tpu.memory_space<hbm>>) target_semaphore(%arg11 : memref<!tpu.dma_semaphore, #tpu.memory_space<semaphore_mem>>)
    %add3A_750 = arith.constant 128 : i32
    %add3A_751 = arith.addi %add3A, %add3A_750 : i32
    %mul3A_752 = arith.constant 16 : i32
    %mul3A_753 = arith.muli %add3A_751, %mul3A_752 : i32
    %dma_wait3A_754 = arith.constant 0 : i32
    %dma_wait3A_755 = arith.constant 0 : i32
    %dma_wait3A_756 = arith.constant 0 : i32
    %dma_wait3A_757 = tpu.memref_slice %arg6[%dma_wait3A_754, %dma_wait3A_755, %dma_wait3A_756] : memref<2x16x2048xf32, #tpu.memory_space<vmem>> -> memref<1x16x2048xf32, #tpu.memory_space<vmem>>
    %dma_wait3A_758 = tpu.memref_squeeze %dma_wait3A_757 : memref<1x16x2048xf32, #tpu.memory_space<vmem>> -> memref<16x2048xf32, #tpu.memory_space<vmem>>
    %dma_wait3A_759 = arith.constant 0 : i32
    %dma_wait3A_760 = tpu.memref_slice %arg5[%mul3A_753, %dma_wait3A_759] : memref<4672x2432xf32, #tpu.memory_space<hbm>> -> memref<16x2048xf32, #tpu.memory_space<hbm>>
    %dma_wait3A_761 = arith.constant 0 : i32
    %dma_wait3A_762 = tpu.memref_slice %arg5[%mul3A_753, %dma_wait3A_761] : memref<4672x2432xf32, #tpu.memory_space<hbm>> -> memref<16x2048xf32, #tpu.memory_space<hbm>>
    %dma_wait3A_763 = arith.constant 0 : i32
    %dma_wait3A_764 = arith.constant 0 : i32
    %dma_wait3A_765 = tpu.memref_slice %arg6[%dma_wait3A_754, %dma_wait3A_763, %dma_wait3A_764] : memref<2x16x2048xf32, #tpu.memory_space<vmem>> -> memref<1x16x2048xf32, #tpu.memory_space<vmem>>
    %dma_wait3A_766 = tpu.memref_squeeze %dma_wait3A_765 : memref<1x16x2048xf32, #tpu.memory_space<vmem>> -> memref<16x2048xf32, #tpu.memory_space<vmem>>
    tpu.wait_dma2 semaphore(%arg11 : memref<!tpu.dma_semaphore, #tpu.memory_space<semaphore_mem>>) src(%dma_wait3A_766 : memref<16x2048xf32, #tpu.memory_space<vmem>>) dst(%dma_wait3A_762 : memref<16x2048xf32, #tpu.memory_space<hbm>>)
    %dma_wait3A_767 = arith.constant 0 : i32
    %dma_wait3A_768 = arith.constant 0 : i32
    %dma_wait3A_769 = arith.constant 0 : i32
    %dma_wait3A_770 = tpu.memref_slice %arg7[%dma_wait3A_767, %dma_wait3A_768, %dma_wait3A_769] : memref<2x16x384xf32, #tpu.memory_space<vmem>> -> memref<1x16x384xf32, #tpu.memory_space<vmem>>
    %dma_wait3A_771 = tpu.memref_squeeze %dma_wait3A_770 : memref<1x16x384xf32, #tpu.memory_space<vmem>> -> memref<16x384xf32, #tpu.memory_space<vmem>>
    %dma_wait3A_772 = arith.constant 2048 : i32
    %dma_wait3A_773 = tpu.memref_slice %arg5[%mul3A_753, %dma_wait3A_772] : memref<4672x2432xf32, #tpu.memory_space<hbm>> -> memref<16x384xf32, #tpu.memory_space<hbm>>
    %dma_wait3A_774 = arith.constant 2048 : i32
    %dma_wait3A_775 = tpu.memref_slice %arg5[%mul3A_753, %dma_wait3A_774] : memref<4672x2432xf32, #tpu.memory_space<hbm>> -> memref<16x384xf32, #tpu.memory_space<hbm>>
    %dma_wait3A_776 = arith.constant 0 : i32
    %dma_wait3A_777 = arith.constant 0 : i32
    %dma_wait3A_778 = tpu.memref_slice %arg7[%dma_wait3A_767, %dma_wait3A_776, %dma_wait3A_777] : memref<2x16x384xf32, #tpu.memory_space<vmem>> -> memref<1x16x384xf32, #tpu.memory_space<vmem>>
    %dma_wait3A_779 = tpu.memref_squeeze %dma_wait3A_778 : memref<1x16x384xf32, #tpu.memory_space<vmem>> -> memref<16x384xf32, #tpu.memory_space<vmem>>
    tpu.wait_dma2 semaphore(%arg11 : memref<!tpu.dma_semaphore, #tpu.memory_space<semaphore_mem>>) src(%dma_wait3A_779 : memref<16x384xf32, #tpu.memory_space<vmem>>) dst(%dma_wait3A_775 : memref<16x384xf32, #tpu.memory_space<hbm>>)
    %add3A_780 = arith.constant 192 : i32
    %add3A_781 = arith.addi %add3A, %add3A_780 : i32
    %mul3A_782 = arith.constant 16 : i32
    %mul3A_783 = arith.muli %add3A_781, %mul3A_782 : i32
    %lt3A_784 = arith.constant 4 : i32
    %lt3A_785 = arith.cmpi slt, %add3A_781, %lt3A_784 : i32
    %lt3A_786 = arith.constant 32 : i32
    %lt3A_787 = arith.cmpi slt, %add3A_781, %lt3A_786 : i32
    %lt3A_788 = arith.constant 36 : i32
    %lt3A_789 = arith.cmpi slt, %add3A_781, %lt3A_788 : i32
    %jit3A_790 = arith.constant 3008 : i32
    %jit3A_791 = arith.constant -576 : i32
    %select_n3A_792 = arith.select %lt3A_789, %jit3A_790, %jit3A_791 : i32
    %jit3A_793 = arith.constant 3520 : i32
    %select_n3A_794 = arith.select %lt3A_787, %jit3A_793, %select_n3A_792 : i32
    %jit3A_795 = arith.constant 4032 : i32
    %select_n3A_796 = arith.select %lt3A_785, %jit3A_795, %select_n3A_794 : i32
    %add3A_797 = arith.addi %mul3A_783, %select_n3A_796 : i32
    %dma_start3A_798 = arith.constant 0 : i32
    %dma_start3A_799 = arith.constant 0 : i32
    %dma_start3A_800 = arith.constant 0 : i32
    %dma_start3A_801 = tpu.memref_slice %arg6[%dma_start3A_798, %dma_start3A_799, %dma_start3A_800] : memref<2x16x2048xf32, #tpu.memory_space<vmem>> -> memref<1x16x2048xf32, #tpu.memory_space<vmem>>
    %dma_start3A_802 = tpu.memref_squeeze %dma_start3A_801 : memref<1x16x2048xf32, #tpu.memory_space<vmem>> -> memref<16x2048xf32, #tpu.memory_space<vmem>>
    %dma_start3A_803 = arith.constant 0 : i32
    %dma_start3A_804 = tpu.memref_slice %arg2[%add3A_797, %dma_start3A_803] : memref<4096x2048xf32, #tpu.memory_space<hbm>> -> memref<16x2048xf32, #tpu.memory_space<hbm>>
    %dma_start3A_805 = arith.constant 0 : i32
    %dma_start3A_806 = arith.constant 0 : i32
    %dma_start3A_807 = tpu.memref_slice %arg6[%dma_start3A_798, %dma_start3A_805, %dma_start3A_806] : memref<2x16x2048xf32, #tpu.memory_space<vmem>> -> memref<1x16x2048xf32, #tpu.memory_space<vmem>>
    %dma_start3A_808 = tpu.memref_squeeze %dma_start3A_807 : memref<1x16x2048xf32, #tpu.memory_space<vmem>> -> memref<16x2048xf32, #tpu.memory_space<vmem>>
    %dma_start3A_809 = arith.constant 0 : i32
    %dma_start3A_810 = tpu.memref_slice %arg2[%add3A_797, %dma_start3A_809] : memref<4096x2048xf32, #tpu.memory_space<hbm>> -> memref<16x2048xf32, #tpu.memory_space<hbm>>
    tpu.enqueue_dma source(%dma_start3A_810 : memref<16x2048xf32, #tpu.memory_space<hbm>>) target(%dma_start3A_808 : memref<16x2048xf32, #tpu.memory_space<vmem>>) target_semaphore(%arg9 : memref<!tpu.dma_semaphore, #tpu.memory_space<semaphore_mem>>)
    %dma_start3A_811 = arith.constant 0 : i32
    %dma_start3A_812 = arith.constant 0 : i32
    %dma_start3A_813 = arith.constant 0 : i32
    %dma_start3A_814 = tpu.memref_slice %arg7[%dma_start3A_811, %dma_start3A_812, %dma_start3A_813] : memref<2x16x384xf32, #tpu.memory_space<vmem>> -> memref<1x16x384xf32, #tpu.memory_space<vmem>>
    %dma_start3A_815 = tpu.memref_squeeze %dma_start3A_814 : memref<1x16x384xf32, #tpu.memory_space<vmem>> -> memref<16x384xf32, #tpu.memory_space<vmem>>
    %dma_start3A_816 = arith.constant 0 : i32
    %dma_start3A_817 = tpu.memref_slice %arg3[%add3A_797, %dma_start3A_816] : memref<4096x384xf32, #tpu.memory_space<hbm>> -> memref<16x384xf32, #tpu.memory_space<hbm>>
    %dma_start3A_818 = arith.constant 0 : i32
    %dma_start3A_819 = arith.constant 0 : i32
    %dma_start3A_820 = tpu.memref_slice %arg7[%dma_start3A_811, %dma_start3A_818, %dma_start3A_819] : memref<2x16x384xf32, #tpu.memory_space<vmem>> -> memref<1x16x384xf32, #tpu.memory_space<vmem>>
    %dma_start3A_821 = tpu.memref_squeeze %dma_start3A_820 : memref<1x16x384xf32, #tpu.memory_space<vmem>> -> memref<16x384xf32, #tpu.memory_space<vmem>>
    %dma_start3A_822 = arith.constant 0 : i32
    %dma_start3A_823 = tpu.memref_slice %arg3[%add3A_797, %dma_start3A_822] : memref<4096x384xf32, #tpu.memory_space<hbm>> -> memref<16x384xf32, #tpu.memory_space<hbm>>
    tpu.enqueue_dma source(%dma_start3A_823 : memref<16x384xf32, #tpu.memory_space<hbm>>) target(%dma_start3A_821 : memref<16x384xf32, #tpu.memory_space<vmem>>) target_semaphore(%arg9 : memref<!tpu.dma_semaphore, #tpu.memory_space<semaphore_mem>>)
    %add3A_824 = arith.constant 160 : i32
    %add3A_825 = arith.addi %add3A, %add3A_824 : i32
    %mul3A_826 = arith.constant 16 : i32
    %mul3A_827 = arith.muli %add3A_825, %mul3A_826 : i32
    %lt3A_828 = arith.constant 4 : i32
    %lt3A_829 = arith.cmpi slt, %add3A_825, %lt3A_828 : i32
    %lt3A_830 = arith.constant 32 : i32
    %lt3A_831 = arith.cmpi slt, %add3A_825, %lt3A_830 : i32
    %lt3A_832 = arith.constant 36 : i32
    %lt3A_833 = arith.cmpi slt, %add3A_825, %lt3A_832 : i32
    %jit3A_834 = arith.constant 3008 : i32
    %jit3A_835 = arith.constant -576 : i32
    %select_n3A_836 = arith.select %lt3A_833, %jit3A_834, %jit3A_835 : i32
    %jit3A_837 = arith.constant 3520 : i32
    %select_n3A_838 = arith.select %lt3A_831, %jit3A_837, %select_n3A_836 : i32
    %jit3A_839 = arith.constant 4032 : i32
    %select_n3A_840 = arith.select %lt3A_829, %jit3A_839, %select_n3A_838 : i32
    %add3A_841 = arith.addi %mul3A_827, %select_n3A_840 : i32
    %dma_wait3A_842 = arith.constant 1 : i32
    %dma_wait3A_843 = arith.constant 0 : i32
    %dma_wait3A_844 = arith.constant 0 : i32
    %dma_wait3A_845 = tpu.memref_slice %arg6[%dma_wait3A_842, %dma_wait3A_843, %dma_wait3A_844] : memref<2x16x2048xf32, #tpu.memory_space<vmem>> -> memref<1x16x2048xf32, #tpu.memory_space<vmem>>
    %dma_wait3A_846 = tpu.memref_squeeze %dma_wait3A_845 : memref<1x16x2048xf32, #tpu.memory_space<vmem>> -> memref<16x2048xf32, #tpu.memory_space<vmem>>
    %dma_wait3A_847 = arith.constant 0 : i32
    %dma_wait3A_848 = tpu.memref_slice %arg2[%add3A_841, %dma_wait3A_847] : memref<4096x2048xf32, #tpu.memory_space<hbm>> -> memref<16x2048xf32, #tpu.memory_space<hbm>>
    %dma_wait3A_849 = arith.constant 0 : i32
    %dma_wait3A_850 = arith.constant 0 : i32
    %dma_wait3A_851 = tpu.memref_slice %arg6[%dma_wait3A_842, %dma_wait3A_849, %dma_wait3A_850] : memref<2x16x2048xf32, #tpu.memory_space<vmem>> -> memref<1x16x2048xf32, #tpu.memory_space<vmem>>
    %dma_wait3A_852 = tpu.memref_squeeze %dma_wait3A_851 : memref<1x16x2048xf32, #tpu.memory_space<vmem>> -> memref<16x2048xf32, #tpu.memory_space<vmem>>
    %dma_wait3A_853 = arith.constant 0 : i32
    %dma_wait3A_854 = tpu.memref_slice %arg2[%add3A_841, %dma_wait3A_853] : memref<4096x2048xf32, #tpu.memory_space<hbm>> -> memref<16x2048xf32, #tpu.memory_space<hbm>>
    tpu.wait_dma2 semaphore(%arg10 : memref<!tpu.dma_semaphore, #tpu.memory_space<semaphore_mem>>) src(%dma_wait3A_854 : memref<16x2048xf32, #tpu.memory_space<hbm>>) dst(%dma_wait3A_852 : memref<16x2048xf32, #tpu.memory_space<vmem>>)
    %dma_wait3A_855 = arith.constant 1 : i32
    %dma_wait3A_856 = arith.constant 0 : i32
    %dma_wait3A_857 = arith.constant 0 : i32
    %dma_wait3A_858 = tpu.memref_slice %arg7[%dma_wait3A_855, %dma_wait3A_856, %dma_wait3A_857] : memref<2x16x384xf32, #tpu.memory_space<vmem>> -> memref<1x16x384xf32, #tpu.memory_space<vmem>>
    %dma_wait3A_859 = tpu.memref_squeeze %dma_wait3A_858 : memref<1x16x384xf32, #tpu.memory_space<vmem>> -> memref<16x384xf32, #tpu.memory_space<vmem>>
    %dma_wait3A_860 = arith.constant 0 : i32
    %dma_wait3A_861 = tpu.memref_slice %arg3[%add3A_841, %dma_wait3A_860] : memref<4096x384xf32, #tpu.memory_space<hbm>> -> memref<16x384xf32, #tpu.memory_space<hbm>>
    %dma_wait3A_862 = arith.constant 0 : i32
    %dma_wait3A_863 = arith.constant 0 : i32
    %dma_wait3A_864 = tpu.memref_slice %arg7[%dma_wait3A_855, %dma_wait3A_862, %dma_wait3A_863] : memref<2x16x384xf32, #tpu.memory_space<vmem>> -> memref<1x16x384xf32, #tpu.memory_space<vmem>>
    %dma_wait3A_865 = tpu.memref_squeeze %dma_wait3A_864 : memref<1x16x384xf32, #tpu.memory_space<vmem>> -> memref<16x384xf32, #tpu.memory_space<vmem>>
    %dma_wait3A_866 = arith.constant 0 : i32
    %dma_wait3A_867 = tpu.memref_slice %arg3[%add3A_841, %dma_wait3A_866] : memref<4096x384xf32, #tpu.memory_space<hbm>> -> memref<16x384xf32, #tpu.memory_space<hbm>>
    tpu.wait_dma2 semaphore(%arg10 : memref<!tpu.dma_semaphore, #tpu.memory_space<semaphore_mem>>) src(%dma_wait3A_867 : memref<16x384xf32, #tpu.memory_space<hbm>>) dst(%dma_wait3A_865 : memref<16x384xf32, #tpu.memory_space<vmem>>)
    %add3A_868 = arith.constant 160 : i32
    %add3A_869 = arith.addi %add3A, %add3A_868 : i32
    %mul3A_870 = arith.constant 16 : i32
    %mul3A_871 = arith.muli %add3A_869, %mul3A_870 : i32
    %dma_start3A_872 = arith.constant 1 : i32
    %dma_start3A_873 = arith.constant 0 : i32
    %dma_start3A_874 = arith.constant 0 : i32
    %dma_start3A_875 = tpu.memref_slice %arg6[%dma_start3A_872, %dma_start3A_873, %dma_start3A_874] : memref<2x16x2048xf32, #tpu.memory_space<vmem>> -> memref<1x16x2048xf32, #tpu.memory_space<vmem>>
    %dma_start3A_876 = tpu.memref_squeeze %dma_start3A_875 : memref<1x16x2048xf32, #tpu.memory_space<vmem>> -> memref<16x2048xf32, #tpu.memory_space<vmem>>
    %dma_start3A_877 = arith.constant 0 : i32
    %dma_start3A_878 = tpu.memref_slice %arg5[%mul3A_871, %dma_start3A_877] : memref<4672x2432xf32, #tpu.memory_space<hbm>> -> memref<16x2048xf32, #tpu.memory_space<hbm>>
    %dma_start3A_879 = arith.constant 0 : i32
    %dma_start3A_880 = tpu.memref_slice %arg5[%mul3A_871, %dma_start3A_879] : memref<4672x2432xf32, #tpu.memory_space<hbm>> -> memref<16x2048xf32, #tpu.memory_space<hbm>>
    %dma_start3A_881 = arith.constant 0 : i32
    %dma_start3A_882 = arith.constant 0 : i32
    %dma_start3A_883 = tpu.memref_slice %arg6[%dma_start3A_872, %dma_start3A_881, %dma_start3A_882] : memref<2x16x2048xf32, #tpu.memory_space<vmem>> -> memref<1x16x2048xf32, #tpu.memory_space<vmem>>
    %dma_start3A_884 = tpu.memref_squeeze %dma_start3A_883 : memref<1x16x2048xf32, #tpu.memory_space<vmem>> -> memref<16x2048xf32, #tpu.memory_space<vmem>>
    tpu.enqueue_dma source(%dma_start3A_884 : memref<16x2048xf32, #tpu.memory_space<vmem>>) target(%dma_start3A_880 : memref<16x2048xf32, #tpu.memory_space<hbm>>) target_semaphore(%arg12 : memref<!tpu.dma_semaphore, #tpu.memory_space<semaphore_mem>>)
    %dma_start3A_885 = arith.constant 1 : i32
    %dma_start3A_886 = arith.constant 0 : i32
    %dma_start3A_887 = arith.constant 0 : i32
    %dma_start3A_888 = tpu.memref_slice %arg7[%dma_start3A_885, %dma_start3A_886, %dma_start3A_887] : memref<2x16x384xf32, #tpu.memory_space<vmem>> -> memref<1x16x384xf32, #tpu.memory_space<vmem>>
    %dma_start3A_889 = tpu.memref_squeeze %dma_start3A_888 : memref<1x16x384xf32, #tpu.memory_space<vmem>> -> memref<16x384xf32, #tpu.memory_space<vmem>>
    %dma_start3A_890 = arith.constant 2048 : i32
    %dma_start3A_891 = tpu.memref_slice %arg5[%mul3A_871, %dma_start3A_890] : memref<4672x2432xf32, #tpu.memory_space<hbm>> -> memref<16x384xf32, #tpu.memory_space<hbm>>
    %dma_start3A_892 = arith.constant 2048 : i32
    %dma_start3A_893 = tpu.memref_slice %arg5[%mul3A_871, %dma_start3A_892] : memref<4672x2432xf32, #tpu.memory_space<hbm>> -> memref<16x384xf32, #tpu.memory_space<hbm>>
    %dma_start3A_894 = arith.constant 0 : i32
    %dma_start3A_895 = arith.constant 0 : i32
    %dma_start3A_896 = tpu.memref_slice %arg7[%dma_start3A_885, %dma_start3A_894, %dma_start3A_895] : memref<2x16x384xf32, #tpu.memory_space<vmem>> -> memref<1x16x384xf32, #tpu.memory_space<vmem>>
    %dma_start3A_897 = tpu.memref_squeeze %dma_start3A_896 : memref<1x16x384xf32, #tpu.memory_space<vmem>> -> memref<16x384xf32, #tpu.memory_space<vmem>>
    tpu.enqueue_dma source(%dma_start3A_897 : memref<16x384xf32, #tpu.memory_space<vmem>>) target(%dma_start3A_893 : memref<16x384xf32, #tpu.memory_space<hbm>>) target_semaphore(%arg12 : memref<!tpu.dma_semaphore, #tpu.memory_space<semaphore_mem>>)
    %add3A_898 = arith.constant 160 : i32
    %add3A_899 = arith.addi %add3A, %add3A_898 : i32
    %mul3A_900 = arith.constant 16 : i32
    %mul3A_901 = arith.muli %add3A_899, %mul3A_900 : i32
    %dma_wait3A_902 = arith.constant 1 : i32
    %dma_wait3A_903 = arith.constant 0 : i32
    %dma_wait3A_904 = arith.constant 0 : i32
    %dma_wait3A_905 = tpu.memref_slice %arg6[%dma_wait3A_902, %dma_wait3A_903, %dma_wait3A_904] : memref<2x16x2048xf32, #tpu.memory_space<vmem>> -> memref<1x16x2048xf32, #tpu.memory_space<vmem>>
    %dma_wait3A_906 = tpu.memref_squeeze %dma_wait3A_905 : memref<1x16x2048xf32, #tpu.memory_space<vmem>> -> memref<16x2048xf32, #tpu.memory_space<vmem>>
    %dma_wait3A_907 = arith.constant 0 : i32
    %dma_wait3A_908 = tpu.memref_slice %arg5[%mul3A_901, %dma_wait3A_907] : memref<4672x2432xf32, #tpu.memory_space<hbm>> -> memref<16x2048xf32, #tpu.memory_space<hbm>>
    %dma_wait3A_909 = arith.constant 0 : i32
    %dma_wait3A_910 = tpu.memref_slice %arg5[%mul3A_901, %dma_wait3A_909] : memref<4672x2432xf32, #tpu.memory_space<hbm>> -> memref<16x2048xf32, #tpu.memory_space<hbm>>
    %dma_wait3A_911 = arith.constant 0 : i32
    %dma_wait3A_912 = arith.constant 0 : i32
    %dma_wait3A_913 = tpu.memref_slice %arg6[%dma_wait3A_902, %dma_wait3A_911, %dma_wait3A_912] : memref<2x16x2048xf32, #tpu.memory_space<vmem>> -> memref<1x16x2048xf32, #tpu.memory_space<vmem>>
    %dma_wait3A_914 = tpu.memref_squeeze %dma_wait3A_913 : memref<1x16x2048xf32, #tpu.memory_space<vmem>> -> memref<16x2048xf32, #tpu.memory_space<vmem>>
    tpu.wait_dma2 semaphore(%arg12 : memref<!tpu.dma_semaphore, #tpu.memory_space<semaphore_mem>>) src(%dma_wait3A_914 : memref<16x2048xf32, #tpu.memory_space<vmem>>) dst(%dma_wait3A_910 : memref<16x2048xf32, #tpu.memory_space<hbm>>)
    %dma_wait3A_915 = arith.constant 1 : i32
    %dma_wait3A_916 = arith.constant 0 : i32
    %dma_wait3A_917 = arith.constant 0 : i32
    %dma_wait3A_918 = tpu.memref_slice %arg7[%dma_wait3A_915, %dma_wait3A_916, %dma_wait3A_917] : memref<2x16x384xf32, #tpu.memory_space<vmem>> -> memref<1x16x384xf32, #tpu.memory_space<vmem>>
    %dma_wait3A_919 = tpu.memref_squeeze %dma_wait3A_918 : memref<1x16x384xf32, #tpu.memory_space<vmem>> -> memref<16x384xf32, #tpu.memory_space<vmem>>
    %dma_wait3A_920 = arith.constant 2048 : i32
    %dma_wait3A_921 = tpu.memref_slice %arg5[%mul3A_901, %dma_wait3A_920] : memref<4672x2432xf32, #tpu.memory_space<hbm>> -> memref<16x384xf32, #tpu.memory_space<hbm>>
    %dma_wait3A_922 = arith.constant 2048 : i32
    %dma_wait3A_923 = tpu.memref_slice %arg5[%mul3A_901, %dma_wait3A_922] : memref<4672x2432xf32, #tpu.memory_space<hbm>> -> memref<16x384xf32, #tpu.memory_space<hbm>>
    %dma_wait3A_924 = arith.constant 0 : i32
    %dma_wait3A_925 = arith.constant 0 : i32
    %dma_wait3A_926 = tpu.memref_slice %arg7[%dma_wait3A_915, %dma_wait3A_924, %dma_wait3A_925] : memref<2x16x384xf32, #tpu.memory_space<vmem>> -> memref<1x16x384xf32, #tpu.memory_space<vmem>>
    %dma_wait3A_927 = tpu.memref_squeeze %dma_wait3A_926 : memref<1x16x384xf32, #tpu.memory_space<vmem>> -> memref<16x384xf32, #tpu.memory_space<vmem>>
    tpu.wait_dma2 semaphore(%arg12 : memref<!tpu.dma_semaphore, #tpu.memory_space<semaphore_mem>>) src(%dma_wait3A_927 : memref<16x384xf32, #tpu.memory_space<vmem>>) dst(%dma_wait3A_923 : memref<16x384xf32, #tpu.memory_space<hbm>>)
    %add3A_928 = arith.constant 224 : i32
    %add3A_929 = arith.addi %add3A, %add3A_928 : i32
    %mul3A_930 = arith.constant 16 : i32
    %mul3A_931 = arith.muli %add3A_929, %mul3A_930 : i32
    %lt3A_932 = arith.constant 4 : i32
    %lt3A_933 = arith.cmpi slt, %add3A_929, %lt3A_932 : i32
    %lt3A_934 = arith.constant 32 : i32
    %lt3A_935 = arith.cmpi slt, %add3A_929, %lt3A_934 : i32
    %lt3A_936 = arith.constant 36 : i32
    %lt3A_937 = arith.cmpi slt, %add3A_929, %lt3A_936 : i32
    %jit3A_938 = arith.constant 3008 : i32
    %jit3A_939 = arith.constant -576 : i32
    %select_n3A_940 = arith.select %lt3A_937, %jit3A_938, %jit3A_939 : i32
    %jit3A_941 = arith.constant 3520 : i32
    %select_n3A_942 = arith.select %lt3A_935, %jit3A_941, %select_n3A_940 : i32
    %jit3A_943 = arith.constant 4032 : i32
    %select_n3A_944 = arith.select %lt3A_933, %jit3A_943, %select_n3A_942 : i32
    %add3A_945 = arith.addi %mul3A_931, %select_n3A_944 : i32
    %dma_start3A_946 = arith.constant 1 : i32
    %dma_start3A_947 = arith.constant 0 : i32
    %dma_start3A_948 = arith.constant 0 : i32
    %dma_start3A_949 = tpu.memref_slice %arg6[%dma_start3A_946, %dma_start3A_947, %dma_start3A_948] : memref<2x16x2048xf32, #tpu.memory_space<vmem>> -> memref<1x16x2048xf32, #tpu.memory_space<vmem>>
    %dma_start3A_950 = tpu.memref_squeeze %dma_start3A_949 : memref<1x16x2048xf32, #tpu.memory_space<vmem>> -> memref<16x2048xf32, #tpu.memory_space<vmem>>
    %dma_start3A_951 = arith.constant 0 : i32
    %dma_start3A_952 = tpu.memref_slice %arg2[%add3A_945, %dma_start3A_951] : memref<4096x2048xf32, #tpu.memory_space<hbm>> -> memref<16x2048xf32, #tpu.memory_space<hbm>>
    %dma_start3A_953 = arith.constant 0 : i32
    %dma_start3A_954 = arith.constant 0 : i32
    %dma_start3A_955 = tpu.memref_slice %arg6[%dma_start3A_946, %dma_start3A_953, %dma_start3A_954] : memref<2x16x2048xf32, #tpu.memory_space<vmem>> -> memref<1x16x2048xf32, #tpu.memory_space<vmem>>
    %dma_start3A_956 = tpu.memref_squeeze %dma_start3A_955 : memref<1x16x2048xf32, #tpu.memory_space<vmem>> -> memref<16x2048xf32, #tpu.memory_space<vmem>>
    %dma_start3A_957 = arith.constant 0 : i32
    %dma_start3A_958 = tpu.memref_slice %arg2[%add3A_945, %dma_start3A_957] : memref<4096x2048xf32, #tpu.memory_space<hbm>> -> memref<16x2048xf32, #tpu.memory_space<hbm>>
    tpu.enqueue_dma source(%dma_start3A_958 : memref<16x2048xf32, #tpu.memory_space<hbm>>) target(%dma_start3A_956 : memref<16x2048xf32, #tpu.memory_space<vmem>>) target_semaphore(%arg10 : memref<!tpu.dma_semaphore, #tpu.memory_space<semaphore_mem>>)
    %dma_start3A_959 = arith.constant 1 : i32
    %dma_start3A_960 = arith.constant 0 : i32
    %dma_start3A_961 = arith.constant 0 : i32
    %dma_start3A_962 = tpu.memref_slice %arg7[%dma_start3A_959, %dma_start3A_960, %dma_start3A_961] : memref<2x16x384xf32, #tpu.memory_space<vmem>> -> memref<1x16x384xf32, #tpu.memory_space<vmem>>
    %dma_start3A_963 = tpu.memref_squeeze %dma_start3A_962 : memref<1x16x384xf32, #tpu.memory_space<vmem>> -> memref<16x384xf32, #tpu.memory_space<vmem>>
    %dma_start3A_964 = arith.constant 0 : i32
    %dma_start3A_965 = tpu.memref_slice %arg3[%add3A_945, %dma_start3A_964] : memref<4096x384xf32, #tpu.memory_space<hbm>> -> memref<16x384xf32, #tpu.memory_space<hbm>>
    %dma_start3A_966 = arith.constant 0 : i32
    %dma_start3A_967 = arith.constant 0 : i32
    %dma_start3A_968 = tpu.memref_slice %arg7[%dma_start3A_959, %dma_start3A_966, %dma_start3A_967] : memref<2x16x384xf32, #tpu.memory_space<vmem>> -> memref<1x16x384xf32, #tpu.memory_space<vmem>>
    %dma_start3A_969 = tpu.memref_squeeze %dma_start3A_968 : memref<1x16x384xf32, #tpu.memory_space<vmem>> -> memref<16x384xf32, #tpu.memory_space<vmem>>
    %dma_start3A_970 = arith.constant 0 : i32
    %dma_start3A_971 = tpu.memref_slice %arg3[%add3A_945, %dma_start3A_970] : memref<4096x384xf32, #tpu.memory_space<hbm>> -> memref<16x384xf32, #tpu.memory_space<hbm>>
    tpu.enqueue_dma source(%dma_start3A_971 : memref<16x384xf32, #tpu.memory_space<hbm>>) target(%dma_start3A_969 : memref<16x384xf32, #tpu.memory_space<vmem>>) target_semaphore(%arg10 : memref<!tpu.dma_semaphore, #tpu.memory_space<semaphore_mem>>)
    %add3A_972 = arith.constant 192 : i32
    %add3A_973 = arith.addi %add3A, %add3A_972 : i32
    %mul3A_974 = arith.constant 16 : i32
    %mul3A_975 = arith.muli %add3A_973, %mul3A_974 : i32
    %lt3A_976 = arith.constant 4 : i32
    %lt3A_977 = arith.cmpi slt, %add3A_973, %lt3A_976 : i32
    %lt3A_978 = arith.constant 32 : i32
    %lt3A_979 = arith.cmpi slt, %add3A_973, %lt3A_978 : i32
    %lt3A_980 = arith.constant 36 : i32
    %lt3A_981 = arith.cmpi slt, %add3A_973, %lt3A_980 : i32
    %jit3A_982 = arith.constant 3008 : i32
    %jit3A_983 = arith.constant -576 : i32
    %select_n3A_984 = arith.select %lt3A_981, %jit3A_982, %jit3A_983 : i32
    %jit3A_985 = arith.constant 3520 : i32
    %select_n3A_986 = arith.select %lt3A_979, %jit3A_985, %select_n3A_984 : i32
    %jit3A_987 = arith.constant 4032 : i32
    %select_n3A_988 = arith.select %lt3A_977, %jit3A_987, %select_n3A_986 : i32
    %add3A_989 = arith.addi %mul3A_975, %select_n3A_988 : i32
    %dma_wait3A_990 = arith.constant 0 : i32
    %dma_wait3A_991 = arith.constant 0 : i32
    %dma_wait3A_992 = arith.constant 0 : i32
    %dma_wait3A_993 = tpu.memref_slice %arg6[%dma_wait3A_990, %dma_wait3A_991, %dma_wait3A_992] : memref<2x16x2048xf32, #tpu.memory_space<vmem>> -> memref<1x16x2048xf32, #tpu.memory_space<vmem>>
    %dma_wait3A_994 = tpu.memref_squeeze %dma_wait3A_993 : memref<1x16x2048xf32, #tpu.memory_space<vmem>> -> memref<16x2048xf32, #tpu.memory_space<vmem>>
    %dma_wait3A_995 = arith.constant 0 : i32
    %dma_wait3A_996 = tpu.memref_slice %arg2[%add3A_989, %dma_wait3A_995] : memref<4096x2048xf32, #tpu.memory_space<hbm>> -> memref<16x2048xf32, #tpu.memory_space<hbm>>
    %dma_wait3A_997 = arith.constant 0 : i32
    %dma_wait3A_998 = arith.constant 0 : i32
    %dma_wait3A_999 = tpu.memref_slice %arg6[%dma_wait3A_990, %dma_wait3A_997, %dma_wait3A_998] : memref<2x16x2048xf32, #tpu.memory_space<vmem>> -> memref<1x16x2048xf32, #tpu.memory_space<vmem>>
    %dma_wait3A_1000 = tpu.memref_squeeze %dma_wait3A_999 : memref<1x16x2048xf32, #tpu.memory_space<vmem>> -> memref<16x2048xf32, #tpu.memory_space<vmem>>
    %dma_wait3A_1001 = arith.constant 0 : i32
    %dma_wait3A_1002 = tpu.memref_slice %arg2[%add3A_989, %dma_wait3A_1001] : memref<4096x2048xf32, #tpu.memory_space<hbm>> -> memref<16x2048xf32, #tpu.memory_space<hbm>>
    tpu.wait_dma2 semaphore(%arg9 : memref<!tpu.dma_semaphore, #tpu.memory_space<semaphore_mem>>) src(%dma_wait3A_1002 : memref<16x2048xf32, #tpu.memory_space<hbm>>) dst(%dma_wait3A_1000 : memref<16x2048xf32, #tpu.memory_space<vmem>>)
    %dma_wait3A_1003 = arith.constant 0 : i32
    %dma_wait3A_1004 = arith.constant 0 : i32
    %dma_wait3A_1005 = arith.constant 0 : i32
    %dma_wait3A_1006 = tpu.memref_slice %arg7[%dma_wait3A_1003, %dma_wait3A_1004, %dma_wait3A_1005] : memref<2x16x384xf32, #tpu.memory_space<vmem>> -> memref<1x16x384xf32, #tpu.memory_space<vmem>>
    %dma_wait3A_1007 = tpu.memref_squeeze %dma_wait3A_1006 : memref<1x16x384xf32, #tpu.memory_space<vmem>> -> memref<16x384xf32, #tpu.memory_space<vmem>>
    %dma_wait3A_1008 = arith.constant 0 : i32
    %dma_wait3A_1009 = tpu.memref_slice %arg3[%add3A_989, %dma_wait3A_1008] : memref<4096x384xf32, #tpu.memory_space<hbm>> -> memref<16x384xf32, #tpu.memory_space<hbm>>
    %dma_wait3A_1010 = arith.constant 0 : i32
    %dma_wait3A_1011 = arith.constant 0 : i32
    %dma_wait3A_1012 = tpu.memref_slice %arg7[%dma_wait3A_1003, %dma_wait3A_1010, %dma_wait3A_1011] : memref<2x16x384xf32, #tpu.memory_space<vmem>> -> memref<1x16x384xf32, #tpu.memory_space<vmem>>
    %dma_wait3A_1013 = tpu.memref_squeeze %dma_wait3A_1012 : memref<1x16x384xf32, #tpu.memory_space<vmem>> -> memref<16x384xf32, #tpu.memory_space<vmem>>
    %dma_wait3A_1014 = arith.constant 0 : i32
    %dma_wait3A_1015 = tpu.memref_slice %arg3[%add3A_989, %dma_wait3A_1014] : memref<4096x384xf32, #tpu.memory_space<hbm>> -> memref<16x384xf32, #tpu.memory_space<hbm>>
    tpu.wait_dma2 semaphore(%arg9 : memref<!tpu.dma_semaphore, #tpu.memory_space<semaphore_mem>>) src(%dma_wait3A_1015 : memref<16x384xf32, #tpu.memory_space<hbm>>) dst(%dma_wait3A_1013 : memref<16x384xf32, #tpu.memory_space<vmem>>)
    %add3A_1016 = arith.constant 192 : i32
    %add3A_1017 = arith.addi %add3A, %add3A_1016 : i32
    %mul3A_1018 = arith.constant 16 : i32
    %mul3A_1019 = arith.muli %add3A_1017, %mul3A_1018 : i32
    %dma_start3A_1020 = arith.constant 0 : i32
    %dma_start3A_1021 = arith.constant 0 : i32
    %dma_start3A_1022 = arith.constant 0 : i32
    %dma_start3A_1023 = tpu.memref_slice %arg6[%dma_start3A_1020, %dma_start3A_1021, %dma_start3A_1022] : memref<2x16x2048xf32, #tpu.memory_space<vmem>> -> memref<1x16x2048xf32, #tpu.memory_space<vmem>>
    %dma_start3A_1024 = tpu.memref_squeeze %dma_start3A_1023 : memref<1x16x2048xf32, #tpu.memory_space<vmem>> -> memref<16x2048xf32, #tpu.memory_space<vmem>>
    %dma_start3A_1025 = arith.constant 0 : i32
    %dma_start3A_1026 = tpu.memref_slice %arg5[%mul3A_1019, %dma_start3A_1025] : memref<4672x2432xf32, #tpu.memory_space<hbm>> -> memref<16x2048xf32, #tpu.memory_space<hbm>>
    %dma_start3A_1027 = arith.constant 0 : i32
    %dma_start3A_1028 = tpu.memref_slice %arg5[%mul3A_1019, %dma_start3A_1027] : memref<4672x2432xf32, #tpu.memory_space<hbm>> -> memref<16x2048xf32, #tpu.memory_space<hbm>>
    %dma_start3A_1029 = arith.constant 0 : i32
    %dma_start3A_1030 = arith.constant 0 : i32
    %dma_start3A_1031 = tpu.memref_slice %arg6[%dma_start3A_1020, %dma_start3A_1029, %dma_start3A_1030] : memref<2x16x2048xf32, #tpu.memory_space<vmem>> -> memref<1x16x2048xf32, #tpu.memory_space<vmem>>
    %dma_start3A_1032 = tpu.memref_squeeze %dma_start3A_1031 : memref<1x16x2048xf32, #tpu.memory_space<vmem>> -> memref<16x2048xf32, #tpu.memory_space<vmem>>
    tpu.enqueue_dma source(%dma_start3A_1032 : memref<16x2048xf32, #tpu.memory_space<vmem>>) target(%dma_start3A_1028 : memref<16x2048xf32, #tpu.memory_space<hbm>>) target_semaphore(%arg11 : memref<!tpu.dma_semaphore, #tpu.memory_space<semaphore_mem>>)
    %dma_start3A_1033 = arith.constant 0 : i32
    %dma_start3A_1034 = arith.constant 0 : i32
    %dma_start3A_1035 = arith.constant 0 : i32
    %dma_start3A_1036 = tpu.memref_slice %arg7[%dma_start3A_1033, %dma_start3A_1034, %dma_start3A_1035] : memref<2x16x384xf32, #tpu.memory_space<vmem>> -> memref<1x16x384xf32, #tpu.memory_space<vmem>>
    %dma_start3A_1037 = tpu.memref_squeeze %dma_start3A_1036 : memref<1x16x384xf32, #tpu.memory_space<vmem>> -> memref<16x384xf32, #tpu.memory_space<vmem>>
    %dma_start3A_1038 = arith.constant 2048 : i32
    %dma_start3A_1039 = tpu.memref_slice %arg5[%mul3A_1019, %dma_start3A_1038] : memref<4672x2432xf32, #tpu.memory_space<hbm>> -> memref<16x384xf32, #tpu.memory_space<hbm>>
    %dma_start3A_1040 = arith.constant 2048 : i32
    %dma_start3A_1041 = tpu.memref_slice %arg5[%mul3A_1019, %dma_start3A_1040] : memref<4672x2432xf32, #tpu.memory_space<hbm>> -> memref<16x384xf32, #tpu.memory_space<hbm>>
    %dma_start3A_1042 = arith.constant 0 : i32
    %dma_start3A_1043 = arith.constant 0 : i32
    %dma_start3A_1044 = tpu.memref_slice %arg7[%dma_start3A_1033, %dma_start3A_1042, %dma_start3A_1043] : memref<2x16x384xf32, #tpu.memory_space<vmem>> -> memref<1x16x384xf32, #tpu.memory_space<vmem>>
    %dma_start3A_1045 = tpu.memref_squeeze %dma_start3A_1044 : memref<1x16x384xf32, #tpu.memory_space<vmem>> -> memref<16x384xf32, #tpu.memory_space<vmem>>
    tpu.enqueue_dma source(%dma_start3A_1045 : memref<16x384xf32, #tpu.memory_space<vmem>>) target(%dma_start3A_1041 : memref<16x384xf32, #tpu.memory_space<hbm>>) target_semaphore(%arg11 : memref<!tpu.dma_semaphore, #tpu.memory_space<semaphore_mem>>)
    %add3A_1046 = arith.constant 192 : i32
    %add3A_1047 = arith.addi %add3A, %add3A_1046 : i32
    %mul3A_1048 = arith.constant 16 : i32
    %mul3A_1049 = arith.muli %add3A_1047, %mul3A_1048 : i32
    %dma_wait3A_1050 = arith.constant 0 : i32
    %dma_wait3A_1051 = arith.constant 0 : i32
    %dma_wait3A_1052 = arith.constant 0 : i32
    %dma_wait3A_1053 = tpu.memref_slice %arg6[%dma_wait3A_1050, %dma_wait3A_1051, %dma_wait3A_1052] : memref<2x16x2048xf32, #tpu.memory_space<vmem>> -> memref<1x16x2048xf32, #tpu.memory_space<vmem>>
    %dma_wait3A_1054 = tpu.memref_squeeze %dma_wait3A_1053 : memref<1x16x2048xf32, #tpu.memory_space<vmem>> -> memref<16x2048xf32, #tpu.memory_space<vmem>>
    %dma_wait3A_1055 = arith.constant 0 : i32
    %dma_wait3A_1056 = tpu.memref_slice %arg5[%mul3A_1049, %dma_wait3A_1055] : memref<4672x2432xf32, #tpu.memory_space<hbm>> -> memref<16x2048xf32, #tpu.memory_space<hbm>>
    %dma_wait3A_1057 = arith.constant 0 : i32
    %dma_wait3A_1058 = tpu.memref_slice %arg5[%mul3A_1049, %dma_wait3A_1057] : memref<4672x2432xf32, #tpu.memory_space<hbm>> -> memref<16x2048xf32, #tpu.memory_space<hbm>>
    %dma_wait3A_1059 = arith.constant 0 : i32
    %dma_wait3A_1060 = arith.constant 0 : i32
    %dma_wait3A_1061 = tpu.memref_slice %arg6[%dma_wait3A_1050, %dma_wait3A_1059, %dma_wait3A_1060] : memref<2x16x2048xf32, #tpu.memory_space<vmem>> -> memref<1x16x2048xf32, #tpu.memory_space<vmem>>
    %dma_wait3A_1062 = tpu.memref_squeeze %dma_wait3A_1061 : memref<1x16x2048xf32, #tpu.memory_space<vmem>> -> memref<16x2048xf32, #tpu.memory_space<vmem>>
    tpu.wait_dma2 semaphore(%arg11 : memref<!tpu.dma_semaphore, #tpu.memory_space<semaphore_mem>>) src(%dma_wait3A_1062 : memref<16x2048xf32, #tpu.memory_space<vmem>>) dst(%dma_wait3A_1058 : memref<16x2048xf32, #tpu.memory_space<hbm>>)
    %dma_wait3A_1063 = arith.constant 0 : i32
    %dma_wait3A_1064 = arith.constant 0 : i32
    %dma_wait3A_1065 = arith.constant 0 : i32
    %dma_wait3A_1066 = tpu.memref_slice %arg7[%dma_wait3A_1063, %dma_wait3A_1064, %dma_wait3A_1065] : memref<2x16x384xf32, #tpu.memory_space<vmem>> -> memref<1x16x384xf32, #tpu.memory_space<vmem>>
    %dma_wait3A_1067 = tpu.memref_squeeze %dma_wait3A_1066 : memref<1x16x384xf32, #tpu.memory_space<vmem>> -> memref<16x384xf32, #tpu.memory_space<vmem>>
    %dma_wait3A_1068 = arith.constant 2048 : i32
    %dma_wait3A_1069 = tpu.memref_slice %arg5[%mul3A_1049, %dma_wait3A_1068] : memref<4672x2432xf32, #tpu.memory_space<hbm>> -> memref<16x384xf32, #tpu.memory_space<hbm>>
    %dma_wait3A_1070 = arith.constant 2048 : i32
    %dma_wait3A_1071 = tpu.memref_slice %arg5[%mul3A_1049, %dma_wait3A_1070] : memref<4672x2432xf32, #tpu.memory_space<hbm>> -> memref<16x384xf32, #tpu.memory_space<hbm>>
    %dma_wait3A_1072 = arith.constant 0 : i32
    %dma_wait3A_1073 = arith.constant 0 : i32
    %dma_wait3A_1074 = tpu.memref_slice %arg7[%dma_wait3A_1063, %dma_wait3A_1072, %dma_wait3A_1073] : memref<2x16x384xf32, #tpu.memory_space<vmem>> -> memref<1x16x384xf32, #tpu.memory_space<vmem>>
    %dma_wait3A_1075 = tpu.memref_squeeze %dma_wait3A_1074 : memref<1x16x384xf32, #tpu.memory_space<vmem>> -> memref<16x384xf32, #tpu.memory_space<vmem>>
    tpu.wait_dma2 semaphore(%arg11 : memref<!tpu.dma_semaphore, #tpu.memory_space<semaphore_mem>>) src(%dma_wait3A_1075 : memref<16x384xf32, #tpu.memory_space<vmem>>) dst(%dma_wait3A_1071 : memref<16x384xf32, #tpu.memory_space<hbm>>)
    %add3A_1076 = arith.constant 224 : i32
    %add3A_1077 = arith.addi %add3A, %add3A_1076 : i32
    %mul3A_1078 = arith.constant 16 : i32
    %mul3A_1079 = arith.muli %add3A_1077, %mul3A_1078 : i32
    %lt3A_1080 = arith.constant 4 : i32
    %lt3A_1081 = arith.cmpi slt, %add3A_1077, %lt3A_1080 : i32
    %lt3A_1082 = arith.constant 32 : i32
    %lt3A_1083 = arith.cmpi slt, %add3A_1077, %lt3A_1082 : i32
    %lt3A_1084 = arith.constant 36 : i32
    %lt3A_1085 = arith.cmpi slt, %add3A_1077, %lt3A_1084 : i32
    %jit3A_1086 = arith.constant 3008 : i32
    %jit3A_1087 = arith.constant -576 : i32
    %select_n3A_1088 = arith.select %lt3A_1085, %jit3A_1086, %jit3A_1087 : i32
    %jit3A_1089 = arith.constant 3520 : i32
    %select_n3A_1090 = arith.select %lt3A_1083, %jit3A_1089, %select_n3A_1088 : i32
    %jit3A_1091 = arith.constant 4032 : i32
    %select_n3A_1092 = arith.select %lt3A_1081, %jit3A_1091, %select_n3A_1090 : i32
    %add3A_1093 = arith.addi %mul3A_1079, %select_n3A_1092 : i32
    %dma_wait3A_1094 = arith.constant 1 : i32
    %dma_wait3A_1095 = arith.constant 0 : i32
    %dma_wait3A_1096 = arith.constant 0 : i32
    %dma_wait3A_1097 = tpu.memref_slice %arg6[%dma_wait3A_1094, %dma_wait3A_1095, %dma_wait3A_1096] : memref<2x16x2048xf32, #tpu.memory_space<vmem>> -> memref<1x16x2048xf32, #tpu.memory_space<vmem>>
    %dma_wait3A_1098 = tpu.memref_squeeze %dma_wait3A_1097 : memref<1x16x2048xf32, #tpu.memory_space<vmem>> -> memref<16x2048xf32, #tpu.memory_space<vmem>>
    %dma_wait3A_1099 = arith.constant 0 : i32
    %dma_wait3A_1100 = tpu.memref_slice %arg2[%add3A_1093, %dma_wait3A_1099] : memref<4096x2048xf32, #tpu.memory_space<hbm>> -> memref<16x2048xf32, #tpu.memory_space<hbm>>
    %dma_wait3A_1101 = arith.constant 0 : i32
    %dma_wait3A_1102 = arith.constant 0 : i32
    %dma_wait3A_1103 = tpu.memref_slice %arg6[%dma_wait3A_1094, %dma_wait3A_1101, %dma_wait3A_1102] : memref<2x16x2048xf32, #tpu.memory_space<vmem>> -> memref<1x16x2048xf32, #tpu.memory_space<vmem>>
    %dma_wait3A_1104 = tpu.memref_squeeze %dma_wait3A_1103 : memref<1x16x2048xf32, #tpu.memory_space<vmem>> -> memref<16x2048xf32, #tpu.memory_space<vmem>>
    %dma_wait3A_1105 = arith.constant 0 : i32
    %dma_wait3A_1106 = tpu.memref_slice %arg2[%add3A_1093, %dma_wait3A_1105] : memref<4096x2048xf32, #tpu.memory_space<hbm>> -> memref<16x2048xf32, #tpu.memory_space<hbm>>
    tpu.wait_dma2 semaphore(%arg10 : memref<!tpu.dma_semaphore, #tpu.memory_space<semaphore_mem>>) src(%dma_wait3A_1106 : memref<16x2048xf32, #tpu.memory_space<hbm>>) dst(%dma_wait3A_1104 : memref<16x2048xf32, #tpu.memory_space<vmem>>)
    %dma_wait3A_1107 = arith.constant 1 : i32
    %dma_wait3A_1108 = arith.constant 0 : i32
    %dma_wait3A_1109 = arith.constant 0 : i32
    %dma_wait3A_1110 = tpu.memref_slice %arg7[%dma_wait3A_1107, %dma_wait3A_1108, %dma_wait3A_1109] : memref<2x16x384xf32, #tpu.memory_space<vmem>> -> memref<1x16x384xf32, #tpu.memory_space<vmem>>
    %dma_wait3A_1111 = tpu.memref_squeeze %dma_wait3A_1110 : memref<1x16x384xf32, #tpu.memory_space<vmem>> -> memref<16x384xf32, #tpu.memory_space<vmem>>
    %dma_wait3A_1112 = arith.constant 0 : i32
    %dma_wait3A_1113 = tpu.memref_slice %arg3[%add3A_1093, %dma_wait3A_1112] : memref<4096x384xf32, #tpu.memory_space<hbm>> -> memref<16x384xf32, #tpu.memory_space<hbm>>
    %dma_wait3A_1114 = arith.constant 0 : i32
    %dma_wait3A_1115 = arith.constant 0 : i32
    %dma_wait3A_1116 = tpu.memref_slice %arg7[%dma_wait3A_1107, %dma_wait3A_1114, %dma_wait3A_1115] : memref<2x16x384xf32, #tpu.memory_space<vmem>> -> memref<1x16x384xf32, #tpu.memory_space<vmem>>
    %dma_wait3A_1117 = tpu.memref_squeeze %dma_wait3A_1116 : memref<1x16x384xf32, #tpu.memory_space<vmem>> -> memref<16x384xf32, #tpu.memory_space<vmem>>
    %dma_wait3A_1118 = arith.constant 0 : i32
    %dma_wait3A_1119 = tpu.memref_slice %arg3[%add3A_1093, %dma_wait3A_1118] : memref<4096x384xf32, #tpu.memory_space<hbm>> -> memref<16x384xf32, #tpu.memory_space<hbm>>
    tpu.wait_dma2 semaphore(%arg10 : memref<!tpu.dma_semaphore, #tpu.memory_space<semaphore_mem>>) src(%dma_wait3A_1119 : memref<16x384xf32, #tpu.memory_space<hbm>>) dst(%dma_wait3A_1117 : memref<16x384xf32, #tpu.memory_space<vmem>>)
    %add3A_1120 = arith.constant 224 : i32
    %add3A_1121 = arith.addi %add3A, %add3A_1120 : i32
    %mul3A_1122 = arith.constant 16 : i32
    %mul3A_1123 = arith.muli %add3A_1121, %mul3A_1122 : i32
    %dma_start3A_1124 = arith.constant 1 : i32
    %dma_start3A_1125 = arith.constant 0 : i32
    %dma_start3A_1126 = arith.constant 0 : i32
    %dma_start3A_1127 = tpu.memref_slice %arg6[%dma_start3A_1124, %dma_start3A_1125, %dma_start3A_1126] : memref<2x16x2048xf32, #tpu.memory_space<vmem>> -> memref<1x16x2048xf32, #tpu.memory_space<vmem>>
    %dma_start3A_1128 = tpu.memref_squeeze %dma_start3A_1127 : memref<1x16x2048xf32, #tpu.memory_space<vmem>> -> memref<16x2048xf32, #tpu.memory_space<vmem>>
    %dma_start3A_1129 = arith.constant 0 : i32
    %dma_start3A_1130 = tpu.memref_slice %arg5[%mul3A_1123, %dma_start3A_1129] : memref<4672x2432xf32, #tpu.memory_space<hbm>> -> memref<16x2048xf32, #tpu.memory_space<hbm>>
    %dma_start3A_1131 = arith.constant 0 : i32
    %dma_start3A_1132 = tpu.memref_slice %arg5[%mul3A_1123, %dma_start3A_1131] : memref<4672x2432xf32, #tpu.memory_space<hbm>> -> memref<16x2048xf32, #tpu.memory_space<hbm>>
    %dma_start3A_1133 = arith.constant 0 : i32
    %dma_start3A_1134 = arith.constant 0 : i32
    %dma_start3A_1135 = tpu.memref_slice %arg6[%dma_start3A_1124, %dma_start3A_1133, %dma_start3A_1134] : memref<2x16x2048xf32, #tpu.memory_space<vmem>> -> memref<1x16x2048xf32, #tpu.memory_space<vmem>>
    %dma_start3A_1136 = tpu.memref_squeeze %dma_start3A_1135 : memref<1x16x2048xf32, #tpu.memory_space<vmem>> -> memref<16x2048xf32, #tpu.memory_space<vmem>>
    tpu.enqueue_dma source(%dma_start3A_1136 : memref<16x2048xf32, #tpu.memory_space<vmem>>) target(%dma_start3A_1132 : memref<16x2048xf32, #tpu.memory_space<hbm>>) target_semaphore(%arg12 : memref<!tpu.dma_semaphore, #tpu.memory_space<semaphore_mem>>)
    %dma_start3A_1137 = arith.constant 1 : i32
    %dma_start3A_1138 = arith.constant 0 : i32
    %dma_start3A_1139 = arith.constant 0 : i32
    %dma_start3A_1140 = tpu.memref_slice %arg7[%dma_start3A_1137, %dma_start3A_1138, %dma_start3A_1139] : memref<2x16x384xf32, #tpu.memory_space<vmem>> -> memref<1x16x384xf32, #tpu.memory_space<vmem>>
    %dma_start3A_1141 = tpu.memref_squeeze %dma_start3A_1140 : memref<1x16x384xf32, #tpu.memory_space<vmem>> -> memref<16x384xf32, #tpu.memory_space<vmem>>
    %dma_start3A_1142 = arith.constant 2048 : i32
    %dma_start3A_1143 = tpu.memref_slice %arg5[%mul3A_1123, %dma_start3A_1142] : memref<4672x2432xf32, #tpu.memory_space<hbm>> -> memref<16x384xf32, #tpu.memory_space<hbm>>
    %dma_start3A_1144 = arith.constant 2048 : i32
    %dma_start3A_1145 = tpu.memref_slice %arg5[%mul3A_1123, %dma_start3A_1144] : memref<4672x2432xf32, #tpu.memory_space<hbm>> -> memref<16x384xf32, #tpu.memory_space<hbm>>
    %dma_start3A_1146 = arith.constant 0 : i32
    %dma_start3A_1147 = arith.constant 0 : i32
    %dma_start3A_1148 = tpu.memref_slice %arg7[%dma_start3A_1137, %dma_start3A_1146, %dma_start3A_1147] : memref<2x16x384xf32, #tpu.memory_space<vmem>> -> memref<1x16x384xf32, #tpu.memory_space<vmem>>
    %dma_start3A_1149 = tpu.memref_squeeze %dma_start3A_1148 : memref<1x16x384xf32, #tpu.memory_space<vmem>> -> memref<16x384xf32, #tpu.memory_space<vmem>>
    tpu.enqueue_dma source(%dma_start3A_1149 : memref<16x384xf32, #tpu.memory_space<vmem>>) target(%dma_start3A_1145 : memref<16x384xf32, #tpu.memory_space<hbm>>) target_semaphore(%arg12 : memref<!tpu.dma_semaphore, #tpu.memory_space<semaphore_mem>>)
    %add3A_1150 = arith.constant 224 : i32
    %add3A_1151 = arith.addi %add3A, %add3A_1150 : i32
    %mul3A_1152 = arith.constant 16 : i32
    %mul3A_1153 = arith.muli %add3A_1151, %mul3A_1152 : i32
    %dma_wait3A_1154 = arith.constant 1 : i32
    %dma_wait3A_1155 = arith.constant 0 : i32
    %dma_wait3A_1156 = arith.constant 0 : i32
    %dma_wait3A_1157 = tpu.memref_slice %arg6[%dma_wait3A_1154, %dma_wait3A_1155, %dma_wait3A_1156] : memref<2x16x2048xf32, #tpu.memory_space<vmem>> -> memref<1x16x2048xf32, #tpu.memory_space<vmem>>
    %dma_wait3A_1158 = tpu.memref_squeeze %dma_wait3A_1157 : memref<1x16x2048xf32, #tpu.memory_space<vmem>> -> memref<16x2048xf32, #tpu.memory_space<vmem>>
    %dma_wait3A_1159 = arith.constant 0 : i32
    %dma_wait3A_1160 = tpu.memref_slice %arg5[%mul3A_1153, %dma_wait3A_1159] : memref<4672x2432xf32, #tpu.memory_space<hbm>> -> memref<16x2048xf32, #tpu.memory_space<hbm>>
    %dma_wait3A_1161 = arith.constant 0 : i32
    %dma_wait3A_1162 = tpu.memref_slice %arg5[%mul3A_1153, %dma_wait3A_1161] : memref<4672x2432xf32, #tpu.memory_space<hbm>> -> memref<16x2048xf32, #tpu.memory_space<hbm>>
    %dma_wait3A_1163 = arith.constant 0 : i32
    %dma_wait3A_1164 = arith.constant 0 : i32
    %dma_wait3A_1165 = tpu.memref_slice %arg6[%dma_wait3A_1154, %dma_wait3A_1163, %dma_wait3A_1164] : memref<2x16x2048xf32, #tpu.memory_space<vmem>> -> memref<1x16x2048xf32, #tpu.memory_space<vmem>>
    %dma_wait3A_1166 = tpu.memref_squeeze %dma_wait3A_1165 : memref<1x16x2048xf32, #tpu.memory_space<vmem>> -> memref<16x2048xf32, #tpu.memory_space<vmem>>
    tpu.wait_dma2 semaphore(%arg12 : memref<!tpu.dma_semaphore, #tpu.memory_space<semaphore_mem>>) src(%dma_wait3A_1166 : memref<16x2048xf32, #tpu.memory_space<vmem>>) dst(%dma_wait3A_1162 : memref<16x2048xf32, #tpu.memory_space<hbm>>)
    %dma_wait3A_1167 = arith.constant 1 : i32
    %dma_wait3A_1168 = arith.constant 0 : i32
    %dma_wait3A_1169 = arith.constant 0 : i32
    %dma_wait3A_1170 = tpu.memref_slice %arg7[%dma_wait3A_1167, %dma_wait3A_1168, %dma_wait3A_1169] : memref<2x16x384xf32, #tpu.memory_space<vmem>> -> memref<1x16x384xf32, #tpu.memory_space<vmem>>
    %dma_wait3A_1171 = tpu.memref_squeeze %dma_wait3A_1170 : memref<1x16x384xf32, #tpu.memory_space<vmem>> -> memref<16x384xf32, #tpu.memory_space<vmem>>
    %dma_wait3A_1172 = arith.constant 2048 : i32
    %dma_wait3A_1173 = tpu.memref_slice %arg5[%mul3A_1153, %dma_wait3A_1172] : memref<4672x2432xf32, #tpu.memory_space<hbm>> -> memref<16x384xf32, #tpu.memory_space<hbm>>
    %dma_wait3A_1174 = arith.constant 2048 : i32
    %dma_wait3A_1175 = tpu.memref_slice %arg5[%mul3A_1153, %dma_wait3A_1174] : memref<4672x2432xf32, #tpu.memory_space<hbm>> -> memref<16x384xf32, #tpu.memory_space<hbm>>
    %dma_wait3A_1176 = arith.constant 0 : i32
    %dma_wait3A_1177 = arith.constant 0 : i32
    %dma_wait3A_1178 = tpu.memref_slice %arg7[%dma_wait3A_1167, %dma_wait3A_1176, %dma_wait3A_1177] : memref<2x16x384xf32, #tpu.memory_space<vmem>> -> memref<1x16x384xf32, #tpu.memory_space<vmem>>
    %dma_wait3A_1179 = tpu.memref_squeeze %dma_wait3A_1178 : memref<1x16x384xf32, #tpu.memory_space<vmem>> -> memref<16x384xf32, #tpu.memory_space<vmem>>
    tpu.wait_dma2 semaphore(%arg12 : memref<!tpu.dma_semaphore, #tpu.memory_space<semaphore_mem>>) src(%dma_wait3A_1179 : memref<16x384xf32, #tpu.memory_space<vmem>>) dst(%dma_wait3A_1175 : memref<16x384xf32, #tpu.memory_space<hbm>>)
    tpu.wait_dma2 semaphore(%arg13 : memref<!tpu.dma_semaphore, #tpu.memory_space<semaphore_mem>>) src(%arg4 : memref<16x2432xf32, #tpu.memory_space<hbm>>) dst(%arg8 : memref<16x2432xf32, #tpu.memory_space<vmem>>)
    %add3A_1180 = arith.constant 256 : i32
    %add3A_1181 = arith.addi %add3A, %add3A_1180 : i32
    %eq3A = arith.constant 256 : i32
    %eq3A_1182 = arith.cmpi eq, %add3A_1181, %eq3A : i32
    %convert_element_type3A = arith.extui %eq3A_1182 : i1 to i32
    %cond3A = arith.constant 0 : i32
    %cond3A_1183 = arith.cmpi ne, %convert_element_type3A, %cond3A : i32
    scf.if %cond3A_1183 {
      "tpu.region"() ({
        %run_scoped3A_1198 = tpu.sem_alloc : memref<!tpu.dma_semaphore, #tpu.memory_space<semaphore_mem>>
        %dma_start3A_1199 = arith.constant 4096 : i32
        %dma_start3A_1200 = arith.constant 0 : i32
        %dma_start3A_1201 = tpu.memref_slice %arg5[%dma_start3A_1199, %dma_start3A_1200] : memref<4672x2432xf32, #tpu.memory_space<hbm>> -> memref<16x2432xf32, #tpu.memory_space<hbm>>
        %dma_start3A_1202 = arith.constant 4096 : i32
        %dma_start3A_1203 = arith.constant 0 : i32
        %dma_start3A_1204 = tpu.memref_slice %arg5[%dma_start3A_1202, %dma_start3A_1203] : memref<4672x2432xf32, #tpu.memory_space<hbm>> -> memref<16x2432xf32, #tpu.memory_space<hbm>>
        tpu.enqueue_dma source(%arg8 : memref<16x2432xf32, #tpu.memory_space<vmem>>) target(%dma_start3A_1204 : memref<16x2432xf32, #tpu.memory_space<hbm>>) target_semaphore(%run_scoped3A_1198 : memref<!tpu.dma_semaphore, #tpu.memory_space<semaphore_mem>>)
        %dma_wait3A_1205 = arith.constant 4096 : i32
        %dma_wait3A_1206 = arith.constant 0 : i32
        %dma_wait3A_1207 = tpu.memref_slice %arg5[%dma_wait3A_1205, %dma_wait3A_1206] : memref<4672x2432xf32, #tpu.memory_space<hbm>> -> memref<16x2432xf32, #tpu.memory_space<hbm>>
        %dma_wait3A_1208 = arith.constant 4096 : i32
        %dma_wait3A_1209 = arith.constant 0 : i32
        %dma_wait3A_1210 = tpu.memref_slice %arg5[%dma_wait3A_1208, %dma_wait3A_1209] : memref<4672x2432xf32, #tpu.memory_space<hbm>> -> memref<16x2432xf32, #tpu.memory_space<hbm>>
        tpu.wait_dma2 semaphore(%run_scoped3A_1198 : memref<!tpu.dma_semaphore, #tpu.memory_space<semaphore_mem>>) src(%arg8 : memref<16x2432xf32, #tpu.memory_space<vmem>>) dst(%dma_wait3A_1210 : memref<16x2432xf32, #tpu.memory_space<hbm>>)
        tpu.yield
      }) : () -> ()
      %run_scoped3A = arith.constant 0 : i32
      "tpu.region"() ({
        %run_scoped3A_1198 = tpu.sem_alloc : memref<!tpu.dma_semaphore, #tpu.memory_space<semaphore_mem>>
        %dma_start3A_1199 = arith.constant 0 : i32
        %dma_start3A_1200 = arith.constant 0 : i32
        %dma_start3A_1201 = tpu.memref_slice %arg6[%run_scoped3A, %dma_start3A_1199, %dma_start3A_1200] : memref<2x16x2048xf32, #tpu.memory_space<vmem>> -> memref<1x1x2048xf32, #tpu.memory_space<vmem>>
        %dma_start3A_1202 = tpu.memref_squeeze %dma_start3A_1201 : memref<1x1x2048xf32, #tpu.memory_space<vmem>> -> memref<1x2048xf32, #tpu.memory_space<vmem>>
        %dma_start3A_1203 = arith.constant 3520 : i32
        %dma_start3A_1204 = arith.constant 0 : i32
        %dma_start3A_1205 = tpu.memref_slice %arg2[%dma_start3A_1203, %dma_start3A_1204] : memref<4096x2048xf32, #tpu.memory_space<hbm>> -> memref<1x2048xf32, #tpu.memory_space<hbm>>
        %dma_start3A_1206 = arith.constant 0 : i32
        %dma_start3A_1207 = arith.constant 0 : i32
        %dma_start3A_1208 = tpu.memref_slice %arg6[%run_scoped3A, %dma_start3A_1206, %dma_start3A_1207] : memref<2x16x2048xf32, #tpu.memory_space<vmem>> -> memref<1x1x2048xf32, #tpu.memory_space<vmem>>
        %dma_start3A_1209 = tpu.memref_squeeze %dma_start3A_1208 : memref<1x1x2048xf32, #tpu.memory_space<vmem>> -> memref<1x2048xf32, #tpu.memory_space<vmem>>
        %dma_start3A_1210 = arith.constant 3520 : i32
        %dma_start3A_1211 = arith.constant 0 : i32
        %dma_start3A_1212 = tpu.memref_slice %arg2[%dma_start3A_1210, %dma_start3A_1211] : memref<4096x2048xf32, #tpu.memory_space<hbm>> -> memref<1x2048xf32, #tpu.memory_space<hbm>>
        tpu.enqueue_dma source(%dma_start3A_1212 : memref<1x2048xf32, #tpu.memory_space<hbm>>) target(%dma_start3A_1209 : memref<1x2048xf32, #tpu.memory_space<vmem>>) target_semaphore(%run_scoped3A_1198 : memref<!tpu.dma_semaphore, #tpu.memory_space<semaphore_mem>>)
        %dma_wait3A_1213 = arith.constant 0 : i32
        %dma_wait3A_1214 = arith.constant 0 : i32
        %dma_wait3A_1215 = tpu.memref_slice %arg6[%run_scoped3A, %dma_wait3A_1213, %dma_wait3A_1214] : memref<2x16x2048xf32, #tpu.memory_space<vmem>> -> memref<1x1x2048xf32, #tpu.memory_space<vmem>>
        %dma_wait3A_1216 = tpu.memref_squeeze %dma_wait3A_1215 : memref<1x1x2048xf32, #tpu.memory_space<vmem>> -> memref<1x2048xf32, #tpu.memory_space<vmem>>
        %dma_wait3A_1217 = arith.constant 3520 : i32
        %dma_wait3A_1218 = arith.constant 0 : i32
        %dma_wait3A_1219 = tpu.memref_slice %arg2[%dma_wait3A_1217, %dma_wait3A_1218] : memref<4096x2048xf32, #tpu.memory_space<hbm>> -> memref<1x2048xf32, #tpu.memory_space<hbm>>
        %dma_wait3A_1220 = arith.constant 0 : i32
        %dma_wait3A_1221 = arith.constant 0 : i32
        %dma_wait3A_1222 = tpu.memref_slice %arg6[%run_scoped3A, %dma_wait3A_1220, %dma_wait3A_1221] : memref<2x16x2048xf32, #tpu.memory_space<vmem>> -> memref<1x1x2048xf32, #tpu.memory_space<vmem>>
        %dma_wait3A_1223 = tpu.memref_squeeze %dma_wait3A_1222 : memref<1x1x2048xf32, #tpu.memory_space<vmem>> -> memref<1x2048xf32, #tpu.memory_space<vmem>>
        %dma_wait3A_1224 = arith.constant 3520 : i32
        %dma_wait3A_1225 = arith.constant 0 : i32
        %dma_wait3A_1226 = tpu.memref_slice %arg2[%dma_wait3A_1224, %dma_wait3A_1225] : memref<4096x2048xf32, #tpu.memory_space<hbm>> -> memref<1x2048xf32, #tpu.memory_space<hbm>>
        tpu.wait_dma2 semaphore(%run_scoped3A_1198 : memref<!tpu.dma_semaphore, #tpu.memory_space<semaphore_mem>>) src(%dma_wait3A_1226 : memref<1x2048xf32, #tpu.memory_space<hbm>>) dst(%dma_wait3A_1223 : memref<1x2048xf32, #tpu.memory_space<vmem>>)
        tpu.yield
      }) : () -> ()
      %run_scoped3A_1195 = arith.constant 0 : i32
      "tpu.region"() ({
        %run_scoped3A_1198 = tpu.sem_alloc : memref<!tpu.dma_semaphore, #tpu.memory_space<semaphore_mem>>
        %dma_start3A_1199 = arith.constant 0 : i32
        %dma_start3A_1200 = arith.constant 0 : i32
        %dma_start3A_1201 = tpu.memref_slice %arg7[%run_scoped3A_1195, %dma_start3A_1199, %dma_start3A_1200] : memref<2x16x384xf32, #tpu.memory_space<vmem>> -> memref<1x1x384xf32, #tpu.memory_space<vmem>>
        %dma_start3A_1202 = tpu.memref_squeeze %dma_start3A_1201 : memref<1x1x384xf32, #tpu.memory_space<vmem>> -> memref<1x384xf32, #tpu.memory_space<vmem>>
        %dma_start3A_1203 = arith.constant 3520 : i32
        %dma_start3A_1204 = arith.constant 0 : i32
        %dma_start3A_1205 = tpu.memref_slice %arg3[%dma_start3A_1203, %dma_start3A_1204] : memref<4096x384xf32, #tpu.memory_space<hbm>> -> memref<1x384xf32, #tpu.memory_space<hbm>>
        %dma_start3A_1206 = arith.constant 0 : i32
        %dma_start3A_1207 = arith.constant 0 : i32
        %dma_start3A_1208 = tpu.memref_slice %arg7[%run_scoped3A_1195, %dma_start3A_1206, %dma_start3A_1207] : memref<2x16x384xf32, #tpu.memory_space<vmem>> -> memref<1x1x384xf32, #tpu.memory_space<vmem>>
        %dma_start3A_1209 = tpu.memref_squeeze %dma_start3A_1208 : memref<1x1x384xf32, #tpu.memory_space<vmem>> -> memref<1x384xf32, #tpu.memory_space<vmem>>
        %dma_start3A_1210 = arith.constant 3520 : i32
        %dma_start3A_1211 = arith.constant 0 : i32
        %dma_start3A_1212 = tpu.memref_slice %arg3[%dma_start3A_1210, %dma_start3A_1211] : memref<4096x384xf32, #tpu.memory_space<hbm>> -> memref<1x384xf32, #tpu.memory_space<hbm>>
        tpu.enqueue_dma source(%dma_start3A_1212 : memref<1x384xf32, #tpu.memory_space<hbm>>) target(%dma_start3A_1209 : memref<1x384xf32, #tpu.memory_space<vmem>>) target_semaphore(%run_scoped3A_1198 : memref<!tpu.dma_semaphore, #tpu.memory_space<semaphore_mem>>)
        %dma_wait3A_1213 = arith.constant 0 : i32
        %dma_wait3A_1214 = arith.constant 0 : i32
        %dma_wait3A_1215 = tpu.memref_slice %arg7[%run_scoped3A_1195, %dma_wait3A_1213, %dma_wait3A_1214] : memref<2x16x384xf32, #tpu.memory_space<vmem>> -> memref<1x1x384xf32, #tpu.memory_space<vmem>>
        %dma_wait3A_1216 = tpu.memref_squeeze %dma_wait3A_1215 : memref<1x1x384xf32, #tpu.memory_space<vmem>> -> memref<1x384xf32, #tpu.memory_space<vmem>>
        %dma_wait3A_1217 = arith.constant 3520 : i32
        %dma_wait3A_1218 = arith.constant 0 : i32
        %dma_wait3A_1219 = tpu.memref_slice %arg3[%dma_wait3A_1217, %dma_wait3A_1218] : memref<4096x384xf32, #tpu.memory_space<hbm>> -> memref<1x384xf32, #tpu.memory_space<hbm>>
        %dma_wait3A_1220 = arith.constant 0 : i32
        %dma_wait3A_1221 = arith.constant 0 : i32
        %dma_wait3A_1222 = tpu.memref_slice %arg7[%run_scoped3A_1195, %dma_wait3A_1220, %dma_wait3A_1221] : memref<2x16x384xf32, #tpu.memory_space<vmem>> -> memref<1x1x384xf32, #tpu.memory_space<vmem>>
        %dma_wait3A_1223 = tpu.memref_squeeze %dma_wait3A_1222 : memref<1x1x384xf32, #tpu.memory_space<vmem>> -> memref<1x384xf32, #tpu.memory_space<vmem>>
        %dma_wait3A_1224 = arith.constant 3520 : i32
        %dma_wait3A_1225 = arith.constant 0 : i32
        %dma_wait3A_1226 = tpu.memref_slice %arg3[%dma_wait3A_1224, %dma_wait3A_1225] : memref<4096x384xf32, #tpu.memory_space<hbm>> -> memref<1x384xf32, #tpu.memory_space<hbm>>
        tpu.wait_dma2 semaphore(%run_scoped3A_1198 : memref<!tpu.dma_semaphore, #tpu.memory_space<semaphore_mem>>) src(%dma_wait3A_1226 : memref<1x384xf32, #tpu.memory_space<hbm>>) dst(%dma_wait3A_1223 : memref<1x384xf32, #tpu.memory_space<vmem>>)
        tpu.yield
      }) : () -> ()
      %run_scoped3A_1196 = arith.constant 0 : i32
      "tpu.region"() ({
        %run_scoped3A_1198 = tpu.sem_alloc : memref<!tpu.dma_semaphore, #tpu.memory_space<semaphore_mem>>
        %dma_start3A_1199 = arith.constant 0 : i32
        %dma_start3A_1200 = arith.constant 0 : i32
        %dma_start3A_1201 = tpu.memref_slice %arg6[%run_scoped3A_1196, %dma_start3A_1199, %dma_start3A_1200] : memref<2x16x2048xf32, #tpu.memory_space<vmem>> -> memref<1x1x2048xf32, #tpu.memory_space<vmem>>
        %dma_start3A_1202 = tpu.memref_squeeze %dma_start3A_1201 : memref<1x1x2048xf32, #tpu.memory_space<vmem>> -> memref<1x2048xf32, #tpu.memory_space<vmem>>
        %dma_start3A_1203 = arith.constant 4096 : i32
        %dma_start3A_1204 = arith.constant 0 : i32
        %dma_start3A_1205 = tpu.memref_slice %arg5[%dma_start3A_1203, %dma_start3A_1204] : memref<4672x2432xf32, #tpu.memory_space<hbm>> -> memref<1x2048xf32, #tpu.memory_space<hbm>>
        %dma_start3A_1206 = arith.constant 4096 : i32
        %dma_start3A_1207 = arith.constant 0 : i32
        %dma_start3A_1208 = tpu.memref_slice %arg5[%dma_start3A_1206, %dma_start3A_1207] : memref<4672x2432xf32, #tpu.memory_space<hbm>> -> memref<1x2048xf32, #tpu.memory_space<hbm>>
        %dma_start3A_1209 = arith.constant 0 : i32
        %dma_start3A_1210 = arith.constant 0 : i32
        %dma_start3A_1211 = tpu.memref_slice %arg6[%run_scoped3A_1196, %dma_start3A_1209, %dma_start3A_1210] : memref<2x16x2048xf32, #tpu.memory_space<vmem>> -> memref<1x1x2048xf32, #tpu.memory_space<vmem>>
        %dma_start3A_1212 = tpu.memref_squeeze %dma_start3A_1211 : memref<1x1x2048xf32, #tpu.memory_space<vmem>> -> memref<1x2048xf32, #tpu.memory_space<vmem>>
        tpu.enqueue_dma source(%dma_start3A_1212 : memref<1x2048xf32, #tpu.memory_space<vmem>>) target(%dma_start3A_1208 : memref<1x2048xf32, #tpu.memory_space<hbm>>) target_semaphore(%run_scoped3A_1198 : memref<!tpu.dma_semaphore, #tpu.memory_space<semaphore_mem>>)
        %dma_wait3A_1213 = arith.constant 0 : i32
        %dma_wait3A_1214 = arith.constant 0 : i32
        %dma_wait3A_1215 = tpu.memref_slice %arg6[%run_scoped3A_1196, %dma_wait3A_1213, %dma_wait3A_1214] : memref<2x16x2048xf32, #tpu.memory_space<vmem>> -> memref<1x1x2048xf32, #tpu.memory_space<vmem>>
        %dma_wait3A_1216 = tpu.memref_squeeze %dma_wait3A_1215 : memref<1x1x2048xf32, #tpu.memory_space<vmem>> -> memref<1x2048xf32, #tpu.memory_space<vmem>>
        %dma_wait3A_1217 = arith.constant 4096 : i32
        %dma_wait3A_1218 = arith.constant 0 : i32
        %dma_wait3A_1219 = tpu.memref_slice %arg5[%dma_wait3A_1217, %dma_wait3A_1218] : memref<4672x2432xf32, #tpu.memory_space<hbm>> -> memref<1x2048xf32, #tpu.memory_space<hbm>>
        %dma_wait3A_1220 = arith.constant 4096 : i32
        %dma_wait3A_1221 = arith.constant 0 : i32
        %dma_wait3A_1222 = tpu.memref_slice %arg5[%dma_wait3A_1220, %dma_wait3A_1221] : memref<4672x2432xf32, #tpu.memory_space<hbm>> -> memref<1x2048xf32, #tpu.memory_space<hbm>>
        %dma_wait3A_1223 = arith.constant 0 : i32
        %dma_wait3A_1224 = arith.constant 0 : i32
        %dma_wait3A_1225 = tpu.memref_slice %arg6[%run_scoped3A_1196, %dma_wait3A_1223, %dma_wait3A_1224] : memref<2x16x2048xf32, #tpu.memory_space<vmem>> -> memref<1x1x2048xf32, #tpu.memory_space<vmem>>
        %dma_wait3A_1226 = tpu.memref_squeeze %dma_wait3A_1225 : memref<1x1x2048xf32, #tpu.memory_space<vmem>> -> memref<1x2048xf32, #tpu.memory_space<vmem>>
        tpu.wait_dma2 semaphore(%run_scoped3A_1198 : memref<!tpu.dma_semaphore, #tpu.memory_space<semaphore_mem>>) src(%dma_wait3A_1226 : memref<1x2048xf32, #tpu.memory_space<vmem>>) dst(%dma_wait3A_1222 : memref<1x2048xf32, #tpu.memory_space<hbm>>)
        tpu.yield
      }) : () -> ()
      %run_scoped3A_1197 = arith.constant 0 : i32
      "tpu.region"() ({
        %run_scoped3A_1198 = tpu.sem_alloc : memref<!tpu.dma_semaphore, #tpu.memory_space<semaphore_mem>>
        %dma_start3A_1199 = arith.constant 0 : i32
        %dma_start3A_1200 = arith.constant 0 : i32
        %dma_start3A_1201 = tpu.memref_slice %arg7[%run_scoped3A_1197, %dma_start3A_1199, %dma_start3A_1200] : memref<2x16x384xf32, #tpu.memory_space<vmem>> -> memref<1x1x384xf32, #tpu.memory_space<vmem>>
        %dma_start3A_1202 = tpu.memref_squeeze %dma_start3A_1201 : memref<1x1x384xf32, #tpu.memory_space<vmem>> -> memref<1x384xf32, #tpu.memory_space<vmem>>
        %dma_start3A_1203 = arith.constant 4096 : i32
        %dma_start3A_1204 = arith.constant 2048 : i32
        %dma_start3A_1205 = tpu.memref_slice %arg5[%dma_start3A_1203, %dma_start3A_1204] : memref<4672x2432xf32, #tpu.memory_space<hbm>> -> memref<1x384xf32, #tpu.memory_space<hbm>>
        %dma_start3A_1206 = arith.constant 4096 : i32
        %dma_start3A_1207 = arith.constant 2048 : i32
        %dma_start3A_1208 = tpu.memref_slice %arg5[%dma_start3A_1206, %dma_start3A_1207] : memref<4672x2432xf32, #tpu.memory_space<hbm>> -> memref<1x384xf32, #tpu.memory_space<hbm>>
        %dma_start3A_1209 = arith.constant 0 : i32
        %dma_start3A_1210 = arith.constant 0 : i32
        %dma_start3A_1211 = tpu.memref_slice %arg7[%run_scoped3A_1197, %dma_start3A_1209, %dma_start3A_1210] : memref<2x16x384xf32, #tpu.memory_space<vmem>> -> memref<1x1x384xf32, #tpu.memory_space<vmem>>
        %dma_start3A_1212 = tpu.memref_squeeze %dma_start3A_1211 : memref<1x1x384xf32, #tpu.memory_space<vmem>> -> memref<1x384xf32, #tpu.memory_space<vmem>>
        tpu.enqueue_dma source(%dma_start3A_1212 : memref<1x384xf32, #tpu.memory_space<vmem>>) target(%dma_start3A_1208 : memref<1x384xf32, #tpu.memory_space<hbm>>) target_semaphore(%run_scoped3A_1198 : memref<!tpu.dma_semaphore, #tpu.memory_space<semaphore_mem>>)
        %dma_wait3A_1213 = arith.constant 0 : i32
        %dma_wait3A_1214 = arith.constant 0 : i32
        %dma_wait3A_1215 = tpu.memref_slice %arg7[%run_scoped3A_1197, %dma_wait3A_1213, %dma_wait3A_1214] : memref<2x16x384xf32, #tpu.memory_space<vmem>> -> memref<1x1x384xf32, #tpu.memory_space<vmem>>
        %dma_wait3A_1216 = tpu.memref_squeeze %dma_wait3A_1215 : memref<1x1x384xf32, #tpu.memory_space<vmem>> -> memref<1x384xf32, #tpu.memory_space<vmem>>
        %dma_wait3A_1217 = arith.constant 4096 : i32
        %dma_wait3A_1218 = arith.constant 2048 : i32
        %dma_wait3A_1219 = tpu.memref_slice %arg5[%dma_wait3A_1217, %dma_wait3A_1218] : memref<4672x2432xf32, #tpu.memory_space<hbm>> -> memref<1x384xf32, #tpu.memory_space<hbm>>
        %dma_wait3A_1220 = arith.constant 4096 : i32
        %dma_wait3A_1221 = arith.constant 2048 : i32
        %dma_wait3A_1222 = tpu.memref_slice %arg5[%dma_wait3A_1220, %dma_wait3A_1221] : memref<4672x2432xf32, #tpu.memory_space<hbm>> -> memref<1x384xf32, #tpu.memory_space<hbm>>
        %dma_wait3A_1223 = arith.constant 0 : i32
        %dma_wait3A_1224 = arith.constant 0 : i32
        %dma_wait3A_1225 = tpu.memref_slice %arg7[%run_scoped3A_1197, %dma_wait3A_1223, %dma_wait3A_1224] : memref<2x16x384xf32, #tpu.memory_space<vmem>> -> memref<1x1x384xf32, #tpu.memory_space<vmem>>
        %dma_wait3A_1226 = tpu.memref_squeeze %dma_wait3A_1225 : memref<1x1x384xf32, #tpu.memory_space<vmem>> -> memref<1x384xf32, #tpu.memory_space<vmem>>
        tpu.wait_dma2 semaphore(%run_scoped3A_1198 : memref<!tpu.dma_semaphore, #tpu.memory_space<semaphore_mem>>) src(%dma_wait3A_1226 : memref<1x384xf32, #tpu.memory_space<vmem>>) dst(%dma_wait3A_1222 : memref<1x384xf32, #tpu.memory_space<hbm>>)
        tpu.yield
      }) : () -> ()
    } else {
    }
    %ge3A = arith.constant 257 : i32
    %ge3A_1184 = arith.cmpi sge, %add3A_1181, %ge3A : i32
    %convert_element_type3A_1185 = arith.extui %ge3A_1184 : i1 to i32
    %cond3A_1186 = arith.constant 0 : i32
    %cond3A_1187 = arith.cmpi ne, %convert_element_type3A_1185, %cond3A_1186 : i32
    scf.if %cond3A_1187 {
      %mul3A_1195 = arith.constant 16 : i32
      %mul3A_1196 = arith.muli %add3A_1181, %mul3A_1195 : i32
      "tpu.region"() ({
        %run_scoped3A = tpu.sem_alloc : memref<!tpu.dma_semaphore, #tpu.memory_space<semaphore_mem>>
        %dma_start3A_1197 = arith.constant 0 : i32
        %dma_start3A_1198 = tpu.memref_slice %arg5[%mul3A_1196, %dma_start3A_1197] : memref<4672x2432xf32, #tpu.memory_space<hbm>> -> memref<16x2432xf32, #tpu.memory_space<hbm>>
        %dma_start3A_1199 = arith.constant 0 : i32
        %dma_start3A_1200 = tpu.memref_slice %arg5[%mul3A_1196, %dma_start3A_1199] : memref<4672x2432xf32, #tpu.memory_space<hbm>> -> memref<16x2432xf32, #tpu.memory_space<hbm>>
        tpu.enqueue_dma source(%arg8 : memref<16x2432xf32, #tpu.memory_space<vmem>>) target(%dma_start3A_1200 : memref<16x2432xf32, #tpu.memory_space<hbm>>) target_semaphore(%run_scoped3A : memref<!tpu.dma_semaphore, #tpu.memory_space<semaphore_mem>>)
        %dma_wait3A_1201 = arith.constant 0 : i32
        %dma_wait3A_1202 = tpu.memref_slice %arg5[%mul3A_1196, %dma_wait3A_1201] : memref<4672x2432xf32, #tpu.memory_space<hbm>> -> memref<16x2432xf32, #tpu.memory_space<hbm>>
        %dma_wait3A_1203 = arith.constant 0 : i32
        %dma_wait3A_1204 = tpu.memref_slice %arg5[%mul3A_1196, %dma_wait3A_1203] : memref<4672x2432xf32, #tpu.memory_space<hbm>> -> memref<16x2432xf32, #tpu.memory_space<hbm>>
        tpu.wait_dma2 semaphore(%run_scoped3A : memref<!tpu.dma_semaphore, #tpu.memory_space<semaphore_mem>>) src(%arg8 : memref<16x2432xf32, #tpu.memory_space<vmem>>) dst(%dma_wait3A_1204 : memref<16x2432xf32, #tpu.memory_space<hbm>>)
        tpu.yield
      }) : () -> ()
    } else {
    }
    %add3A_1188 = arith.constant 288 : i32
    %add3A_1189 = arith.addi %add3A, %add3A_1188 : i32
    %lt3A_1190 = arith.constant 292 : i32
    %lt3A_1191 = arith.cmpi slt, %add3A_1189, %lt3A_1190 : i32
    %convert_element_type3A_1192 = arith.extui %lt3A_1191 : i1 to i32
    %cond3A_1193 = arith.constant 0 : i32
    %cond3A_1194 = arith.cmpi ne, %convert_element_type3A_1192, %cond3A_1193 : i32
    scf.if %cond3A_1194 {
      %mul3A_1195 = arith.constant 16 : i32
      %mul3A_1196 = arith.muli %add3A_1189, %mul3A_1195 : i32
      "tpu.region"() ({
        %run_scoped3A = tpu.sem_alloc : memref<!tpu.dma_semaphore, #tpu.memory_space<semaphore_mem>>
        %dma_start3A_1197 = arith.constant 0 : i32
        %dma_start3A_1198 = tpu.memref_slice %arg5[%mul3A_1196, %dma_start3A_1197] : memref<4672x2432xf32, #tpu.memory_space<hbm>> -> memref<16x2432xf32, #tpu.memory_space<hbm>>
        %dma_start3A_1199 = arith.constant 0 : i32
        %dma_start3A_1200 = tpu.memref_slice %arg5[%mul3A_1196, %dma_start3A_1199] : memref<4672x2432xf32, #tpu.memory_space<hbm>> -> memref<16x2432xf32, #tpu.memory_space<hbm>>
        tpu.enqueue_dma source(%arg8 : memref<16x2432xf32, #tpu.memory_space<vmem>>) target(%dma_start3A_1200 : memref<16x2432xf32, #tpu.memory_space<hbm>>) target_semaphore(%run_scoped3A : memref<!tpu.dma_semaphore, #tpu.memory_space<semaphore_mem>>)
        %dma_wait3A_1201 = arith.constant 0 : i32
        %dma_wait3A_1202 = tpu.memref_slice %arg5[%mul3A_1196, %dma_wait3A_1201] : memref<4672x2432xf32, #tpu.memory_space<hbm>> -> memref<16x2432xf32, #tpu.memory_space<hbm>>
        %dma_wait3A_1203 = arith.constant 0 : i32
        %dma_wait3A_1204 = tpu.memref_slice %arg5[%mul3A_1196, %dma_wait3A_1203] : memref<4672x2432xf32, #tpu.memory_space<hbm>> -> memref<16x2432xf32, #tpu.memory_space<hbm>>
        tpu.wait_dma2 semaphore(%run_scoped3A : memref<!tpu.dma_semaphore, #tpu.memory_space<semaphore_mem>>) src(%arg8 : memref<16x2432xf32, #tpu.memory_space<vmem>>) dst(%dma_wait3A_1204 : memref<16x2432xf32, #tpu.memory_space<hbm>>)
        tpu.yield
      }) : () -> ()
    } else {
    }
    return
  }
}

</mosaic_0001>

<sc_bundles>
// kernel: kernel.3.cloned.1.call-start
scs
__scs_entry_jumppad:
0x0: {  	(pc) =	sbr.rel $0x88, $3  }
0x1: {  	(tag) =	ssettag $0x0;
	lr =	simm.s32 $0x1  }
0x2: {  	[smem:$0x3F9F] =	sst lr;
	_ =	strace $0xD0000000  }
0x3: {  	_ = 	snop  }
0x4: {  	_ = 	snop  }
0x5: {  	_ = 	snop  }
0x6: {  	_ = 	snop  }
0x7: {  	_ = 	snop  }
__scs_overlays_trampoline_lowered:
0x8: {  	[smem:$0x3FAE] =	sst s0  }
0x9: {  	[smem:$0x3FAF] =	sst s1  }
0xa: {  	[smem:$0x3FB0] =	sst s2  }
0xb: {  	[smem:$0x3FB1] =	sst s3  }
0xc: {  	[smem:$0x3FB2] =	sst s4  }
0xd: {  	[smem:$0x3FB3] =	sst s5  }
0xe: {  	[smem:$0x3FB4] =	sst s6  }
0xf: {  	[smem:$0x3FB5] =	sst s7  }
0x10: {  	[smem:$0x3FB6] =	sst s8  }
0x11: {  	[smem:$0x3FB7] =	sst s9;
	s0 =	simm.s32 @!p0 $0x0  }
0x12: {  	s1 =	sld [smem:$0x3F9D];
	s0 =	simm.s32 @p0 $0x1  }
0x13: {  	[smem:$0x3FB8] =	sst s0;
	s0 =	simm.s32 @!p1 $0x0  }
0x14: {  	s2 =	sld [smem:$0x3F9C];
	s0 =	simm.s32 @p1 $0x1  }
0x15: {  	[smem:$0x3FB9] =	sst s0;
	s0 =	simm.s32 @!p2 $0x0  }
0x16: {  	s3 =	sld [smem:$0x3FDB];
	s0 =	simm.s32 @p2 $0x1  }
0x17: {  	s4 =	simm.s32 $0x1BF5;
	[smem:$0x3FBB] =	sst s0  }
0x18: {  	s0 =	sld [smem:$0x3F9E];
	_ =	swait.ge [sflag:s4], $0x0  }
0x19: {  	s7 =	sld [smem:$0x3F9F]  }
0x1a: {  	s8 =	sadd.s32 $0xFFFFE003, lr  }
0x1b: {  	s9 =	sadd.s32 $0xFFFFFEF7, lr;
	s5 =	simm.s32 $0xFFFFFFFF;
	p2 =	slt.u32 s8, $0xFFFFF086  }
0x1c: {  	p1 =	slt.u32 s9, $0xF7A;
	s5 =	simm.s32 @!p2 $0x0  }
0x1d: {  	s5 =	simm.s32 @p1 $0x1;
	p0 =	seq.s32 s7, s2  }
0x1e: {  	s7 =	smul.u32 @!p0 $0xF7A, s2;
	p2 =	seq.s32 @!p0 s5, $0x0  }
0x1f: {  	s9 =	smul.u32 $0xF7A, s1;
	s8 =	simm.s32 @!p0 $0x1BF5;
	p2 =	por !p2, p0  }
0x20: {  	[sflag:s8] =	ssyncset.s32 @!p0 $0xFFFFF086;
	s6 =	sadd.s32 @!p0 s3, s7;
	s7 =	simm.s32 @!p0 $0x108  }
0x21: {  	s3 =	sadd.s32 s3, s9;
	s6 =	sadd.s32 @!p0 $0x88, s6;
	s7 =	simm.s32 @p2 $0x1082  }
0x22: {  	[simem:s7], [sflag:s8] =	dma.local @!p0 [hbm:s6], $0xF7A  }
0x23: {  	s9 =	sor.u32 $0xD0000000, s2;
	s6 =	simm.s32 $0x108;
	_ =	swait.ge @!p0 [sflag:s8], $0x0  }
0x24: {  	s3 =	sadd.s32 $0x88, s3;
	s6 =	simm.s32 @!p1 $0x1082;
	[sflag:s4] =	ssyncset.s32 $0xFFFFF086  }
0x25: {  	[simem:s6], [sflag:s4] =	dma.local [hbm:s3], $0xF7A  }
0x26: {  	[smem:$0x3F9F] =	sst s1;
	(tag) =	ssettag s2;
	_ =	strace s9  }
0x27: {  	s1 =	sld [smem:$0x3FAF]  }
0x28: {  	s2 =	sld [smem:$0x3FB0]  }
0x29: {  	s4 =	sld [smem:$0x3FB2]  }
0x2a: {  	p0 =	seq.s32 s5, $0x0;
	s5 =	sld [smem:$0x3FB3]  }
0x2b: {  	s6 =	sld [smem:$0x3FB4]  }
0x2c: {  	s7 =	sld [smem:$0x3FB5]  }
0x2d: {  	s3 =	simm.s32 $0x108;
	s8 =	sld [smem:$0x3FB6]  }
0x2e: {  	s3 =	simm.s32 @!p0 $0x1082;
	s9 =	sld [smem:$0x3FB7]  }
0x2f: {  	lr =	sadd.s32 s0, s3;
	s0 =	sld [smem:$0x3FAE]  }
0x30: {  	s3 =	sld [smem:$0x3FB1]  }
0x31: {  	[smem:$0x3FBA] =	sst s10  }
0x32: {  	s10 =	sld [smem:$0x3FB8];
	_ =	sdelay $0x3  }
0x33: {  	p0 =	seq.s32 s10, $0x1;
	s10 =	sld [smem:$0x3FBA];
	_ =	sdelay $0x3  }
0x34: {  	[smem:$0x3FBA] =	sst s10  }
0x35: {  	s10 =	sld [smem:$0x3FB9];
	_ =	sdelay $0x3  }
0x36: {  	p1 =	seq.s32 s10, $0x1;
	s10 =	sld [smem:$0x3FBA];
	_ =	sdelay $0x3  }
0x37: {  	[smem:$0x3FBA] =	sst s10  }
0x38: {  	s10 =	sld [smem:$0x3FBB]  }
0x39: {  	_ = 	snop;
	(pc) =	sbr.ind lr, $3  }
0x3a: {  	_ = 	snop  }
0x3b: {  	_ = 	snop  }
0x3c: {  	p2 =	seq.s32 s10, $0x1;
	s10 =	sld [smem:$0x3FBA]  }
0x3d: {  	_ =	shalt  }
0x3e: {  	_ =	shalt  }
0x3f: {  	_ =	shalt  }
0x40: {  	_ =	shalt  }
0x41: {  	_ =	shalt  }
0x42: {  	_ =	shalt  }
0x43: {  	_ =	shalt  }
0x44: {  	_ =	shalt  }
0x45: {  	_ =	shalt  }
0x46: {  	_ =	shalt  }
0x47: {  	_ =	shalt  }
0x48: {  	_ =	shalt  }
0x49: {  	_ =	shalt  }
0x4a: {  	_ =	shalt  }
0x4b: {  	_ =	shalt  }
0x4c: {  	_ =	shalt  }
0x4d: {  	_ =	shalt  }
0x4e: {  	_ =	shalt  }
0x4f: {  	_ =	shalt  }
0x50: {  	_ =	shalt  }
0x51: {  	_ =	shalt  }
0x52: {  	_ =	shalt  }
0x53: {  	_ =	shalt  }
0x54: {  	_ =	shalt  }
0x55: {  	_ =	shalt  }
0x56: {  	_ =	shalt  }
0x57: {  	_ =	shalt  }
0x58: {  	_ =	shalt  }
0x59: {  	_ =	shalt  }
0x5a: {  	_ =	shalt  }
0x5b: {  	_ =	shalt  }
0x5c: {  	_ =	shalt  }
0x5d: {  	_ =	shalt  }
0x5e: {  	_ =	shalt  }
0x5f: {  	_ =	shalt  }
0x60: {  	_ =	shalt  }
0x61: {  	_ =	shalt  }
0x62: {  	_ =	shalt  }
0x63: {  	_ =	shalt  }
0x64: {  	_ =	shalt  }
0x65: {  	_ =	shalt  }
0x66: {  	_ =	shalt  }
0x67: {  	_ =	shalt  }
0x68: {  	_ =	shalt  }
0x69: {  	_ =	shalt  }
0x6a: {  	_ =	shalt  }
0x6b: {  	_ =	shalt  }
0x6c: {  	_ =	shalt  }
0x6d: {  	_ =	shalt  }
0x6e: {  	_ =	shalt  }
0x6f: {  	_ =	shalt  }
0x70: {  	_ =	shalt  }
0x71: {  	_ =	shalt  }
0x72: {  	_ =	shalt  }
0x73: {  	_ =	shalt  }
0x74: {  	_ =	shalt  }
0x75: {  	_ =	shalt  }
0x76: {  	_ =	shalt  }
0x77: {  	_ =	shalt  }
0x78: {  	_ =	shalt  }
0x79: {  	_ =	shalt  }
0x7a: {  	_ =	shalt  }
0x7b: {  	_ =	shalt  }
0x7c: {  	_ =	shalt  }
0x7d: {  	_ =	shalt  }
0x7e: {  	_ =	shalt  }
0x7f: {  	_ =	shalt  }
0x80: {  	_ =	shalt  }
0x81: {  	_ =	shalt  }
0x82: {  	_ =	shalt  }
0x83: {  	_ =	shalt  }
0x84: {  	_ =	shalt  }
0x85: {  	_ =	shalt  }
0x86: {  	_ =	shalt  }
0x87: {  	_ =	shalt  }
.Lfunc_end0:
.L_simem_size_0:
called_computation_lowered:
.L_overlay_start_0:
0x88: {  	s2 =	sld [smem:$0x3FD9]  }
0x89: {  	s3 =	sld [smem:$0x3FFE];
	_ =	sdelay $0x1  }
0x8a: {  	s1 =	srdreg.scid  }
0x8b: {  	s0 =	sand.u32 $0x1, s1  }
0x8c: {  	s17 =	sshll.u32 s0, $0xA;
	s2 =	sadd.s32 s3, s2  }
0x8d: {  	s2 =	sadd.s32 s2, s17  }
0x8e: {  	[smem:$0x3FC6] =	sst s2  }
0x8f: {  	_ = 	snop  }
0x90: {  	s2 =	sld [smem:$0x3FC9]  }
0x91: {  	s18 =	sld [smem:$0x3FC8]  }
0x92: {  	s4 =	sld [smem:$0x3FD0];
	(tm) =	ssettm $0x1  }
0x93: {  	s5 =	sld [smem:$0x3FFB];
	_ =	sdelay $0x3  }
0x94: {  	_ =	strace s5  }
0x95: {  	s5 =	sld [smem:$0x3FFC];
	_ =	sdelay $0x3  }
0x96: {  	_ =	strace s5  }
0x97: {  	s5 =	sld [smem:$0x3FFD];
	_ =	sdelay $0x3  }
0x98: {  	_ =	strace s5  }
0x99: {  	_ =	strace $0x8FFFFFFF  }
0x9a: {  	s19 =	sld [smem:$0x3FDB];
	_ =	sdelay $0x1  }
0x9b: {  	s6 =	simm.s32 $_scs_section_size  }
0x9c: {  	s7 =	simm.s32 $_size__tile_overlayer_lowered;
	s8 =	simm.s32 $_tile_overlayer_lowered  }
0x9d: {  	s22 =	simm.s32 $0x1BFF;
	s21 =	sshll.u32 s8, $0x1;
	s5 =	sadd.s32 s6, s19  }
0x9e: {  	s9 =	simm.s32 $0x0;
	s20 =	sshll.u32 s7, $0x1;
	s7 =	sadd.s32 s21, s5  }
0x9f: {  	[timem:s9], [sflag:s22] =	dma.local [hbm:s7], s20  }
0xa0: {  	_ =	swait.ge [sflag:s22], s20  }
0xa1: {  	s6 =	ssub.s32 $0x0, s20;
	[sflag:s22] =	ssyncset.done $0x0  }
0xa2: {  	[sflag:s22] =	ssyncadd.s32 s6;
	_ =	sdelay $0x1  }
0xa3: {  	s23 =	simm.s32 $0x1B8B  }
0xa4: {  	_ =	swait.ge [sflag:s23], $0x1  }
0xa5: {  	[sflag:s23] =	ssyncset.done $0x0  }
0xa6: {  	s25 =	simm.s32 $0x1B8E;
	s24 =	sld [smem:$0x3FFE];
	[sflag:s23] =	ssyncadd.s32 $0xFFFFFFFF  }
0xa7: {  	s26 =	simm.s32 $execute0_lowered;
	[smem:$0x3FD2] =	sst s25  }
0xa8: {  	s7 =	sshll.u32 s26, $0x1;
	_ =	strace $0x80000046;
	[dreg:$0x1] =	wrdreg $0xFFFFFFFF  }
0xa9: {  	s28 =	simm.s32 $_size_execute0_lowered;
	s5 =	sadd.s32 s5, s7;
	[dreg:$0x0] =	wrdreg $0x0  }
0xaa: {  	s7 =	sshll.u32 s28, $0x1;
	[dreg:$0x2] =	wrdreg s5  }
0xab: {  	[dreg:$0x3] =	wrdreg s7  }
0xac: {  	[dreg:$0x4] =	wrdreg $0xC0  }
0xad: {  	_ =	task [dreg:s9], $0x5FFFF  }
0xae: {  	[dreg:$0x1] =	wrdreg $0xFFFFFFFF  }
0xaf: {  	[dreg:$0x0] =	wrdreg $0x60  }
0xb0: {  	[dreg:$0x2] =	wrdreg s2  }
0xb1: {  	[dreg:$0x3] =	wrdreg s18  }
0xb2: {  	[dreg:$0x4] =	wrdreg s24  }
0xb3: {  	[dreg:$0x5] =	wrdreg s4  }
0xb4: {  	[dreg:$0x6] =	wrdreg $0x9  }
0xb5: {  	_ =	task.clear_ibuf [dreg:s9], $0x7FFFF;
	_ =	strace $0x90000046  }
0xb6: {  	s29 =	simm.s32 $0x9;
	_ =	strace $0x80000048  }
0xb7: {  	_ =	swait.ge [sflag:s29], $0x1  }
0xb8: {  	[sflag:s29] =	ssyncadd.s32 $0xFFFFFFFF  }
0xb9: {  	_ =	strace $0x90000048  }
0xba: {  	_ =	sfence  }
0xbb: {  	s30 =	sld [smem:$0x0];
	_ =	sdelay $0x2  }
0xbc: {  	s31 =	sshll.u32 s1, $0xD;
	s1 =	sshrl.u32 s1, $0x2  }
0xbd: {  	s3 =	sand.u32 $0x4000, s31;
	s1 =	sadd.s32 s1, s30  }
0xbe: {  	s0 =	sor.u32 s3, s0;
	s1 =	sshll.u32 s1, $0x11  }
0xbf: {  	s0 =	sor.u32 s1, s0  }
0xc0: {  	s0 =	sadd.s32 $0x8F2B, s0  }
0xc1: {  	[sflag:s0] =	ssyncadd.remote.s32 $0x1  }
0xc2: {  	_ =	sfence.sel $0xFFFF  }
0xc3: {  	[dreg:$0x0] =	wrdreg $0xFFFFFFFF;
	(pc) =	sbr.abs _section_cstart, $3  }
0xc4: {  	[dreg:$0x1] =	wrdreg $0xFFFFFFFF  }
0xc5: {  	_ =	task.clear_ibuf [dreg:s9], $0x2FFFF;
	_ =	strace $0x9FFFFFFF  }
0xc6: {  	(tm) =	ssettm $0x7FFFFFFF  }
0xc7: {  	_ =	shalt  }
tec
execute0_lowered:
.L_overlay_start_1:
0x0: {  	(tag) =	ssettag $0x1  }
0x1: {  	s3 =	rddreg [dreg:$0x0]  }
0x2: {  	s0 =	rddreg [dreg:$0x1]  }
0x3: {  	s4 =	rddreg [dreg:$0x2]  }
0x4: {  	s1 =	rddreg [dreg:$0x3];
	s2 =	simm.s32 $0x0  }
0x5: {  	s5 =	srdreg.scid;
	s13 =	stileid.u32;
	s6 =	simm.s32 $0xFC0  }
0x6: {  	s9 =	simm.s32 $0xBC0;
	s28 =	simm.s32 $0x2;
	s30 =	simm.s32 $0x4  }
0x7: {  	s31 =	simm.s32 $0x2400;
	[smem:$0x7FF] =	sst s2;
	s4 =	sadd.s32 $0x400, s4  }
0x8: {  	s5 =	sand.u32 $0x1, s5;
	s19 =	sshll.u32 s13, $0x1;
	p0 =	slt.u32 s13, $0x2  }
0x9: {  	p1 =	sgt.u32 s13, $0x1;
	_ =	strace $0x80000047;
	[dreg:$0x5] =	wrdreg s4  }
0xa: {  	s4 =	sor.u32 s5, s19;
	s5 =	ssub.s32 $0x2, s5;
	s6 =	simm.s32 @!p0 $0xDC0  }
0xb: {  	s9 =	simm.s32 @!p0 $0xFFFFFDC0;
	s7 =	sshll.u32 s4, $0x4;
	s23 =	smul.u32 $0x9800, s4  }
0xc: {  	s8 =	sshrl.u32 s5, $0x1;
	p0 =	sne.s32 s4, $0x0;
	s4 =	smul.u32 $0x1300, s4  }
0xd: {  	s6 =	sadd.s32 s6, s7;
	s11 =	sor.u32 $0x200, s7;
	s5 =	ssub.s32 s5, s8  }
0xe: {  	s22 =	sadd.s32 $0x1C0, s7;
	s14 =	sadd.s32 $0x3C0, s7;
	s16 =	sadd.s32 $0x5C0, s7  }
0xf: {  	s10 =	sshrl.u32 s6, $0x3;
	s6 =	sshll.u32 s6, $0x8;
	s9 =	sadd.s32 s9, s11  }
0x10: {  	s12 =	sshrl.u32 s22, $0x3;
	s11 =	sshrl.u32 s11, $0x3;
	s25 =	sshll.u32 s22, $0x8  }
0x11: {  	s15 =	sshrl.u32 s14, $0x3;
	s17 =	sshrl.u32 s16, $0x3;
	s18 =	sshll.u32 s16, $0x8  }
0x12: {  	s16 =	sadd.s32 s4, s1;
	s29 =	smax.u32 s5, $0x1;
	s10 =	smul.u32 $0x180, s10  }
0x13: {  	s6 =	sadd.s32 s3, s6;
	s20 =	sshrl.u32 s9, $0x3;
	s24 =	smul.u32 $0x180, s12  }
0x14: {  	s9 =	sshll.u32 s9, $0x8;
	s11 =	smul.u32 $0x4C00, s11;
	s26 =	sadd.s32 s3, s25  }
0x15: {  	s19 =	smul.u32 $0x180, s17;
	s17 =	sadd.s32 $0x130800, s1;
	[dreg:$0x6] =	wrdreg s6  }
0x16: {  	s6 =	smul.u32 $0x180, s20;
	s9 =	sadd.s32 s3, s9;
	[dreg:$0xa] =	wrdreg s26  }
0x17: {  	s20 =	sadd.s32 s3, s18;
	[smem:$0x7FD] =	sst s17;
	s18 =	sadd.s32 $0x156000, s16  }
0x18: {  	s16 =	simm.s32 $0x11800;
	s17 =	simm.s32 $0x1;
	[dreg:$0x8] =	wrdreg s9  }
0x19: {  	s21 =	sadd.s32 s0, s10;
	s10 =	sshrl.u32 s23, $0x3;
	[dreg:$0xf] =	wrdreg s20  }
0x1a: {  	s12 =	sshrl.u32 s11, $0x3;
	s9 =	sshll.u32 s14, $0x8;
	[dreg:$0x18] =	wrdreg s18  }
0x1b: {  	s22 =	sadd.s32 s0, s19;
	s18 =	simm.s32 $0x4000;
	[dreg:$0x7] =	wrdreg s21  }
0x1c: {  	s6 =	sadd.s32 s0, s6;
	s8 =	sadd.s32 s1, s10;
	s10 =	sadd.s32 s0, s24  }
0x1d: {  	s12 =	sadd.s32 s1, s12;
	s9 =	sadd.s32 s3, s9;
	[dreg:$0x10] =	wrdreg s22  }
0x1e: {  	s21 =	sadd.s32 $0x7C0, s7;
	s24 =	sadd.s32 $0x9C0, s7;
	[dreg:$0x9] =	wrdreg s6  }
0x1f: {  	s7 =	sadd.s32 $0xBC0, s7;
	s22 =	sadd.s32 $0x130000, s1;
	[dreg:$0xb] =	wrdreg s10  }
0x20: {  	s6 =	smul.u32 $0x180, s15;
	[dreg:$0xd] =	wrdreg s9;
	s23 =	sshrl.u32 s21, $0x3  }
0x21: {  	s25 =	sshrl.u32 s24, $0x3;
	s10 =	sshll.u32 s24, $0x8;
	s11 =	sshrl.u32 s7, $0x3  }
0x22: {  	s7 =	sshll.u32 s7, $0x8;
	s15 =	sadd.s32 s4, s22;
	s19 =	sadd.s32 $0x800, s8  }
0x23: {  	[dreg:$0xc] =	wrdreg s12;
	s20 =	sadd.s32 $0x800, s12;
	s24 =	sadd.s32 $0x4C800, s8  }
0x24: {  	s4 =	sadd.s32 $0x98000, s8;
	s5 =	sadd.s32 $0x98800, s8;
	s9 =	smul.u32 $0x180, s23  }
0x25: {  	s12 =	sadd.s32 $0x10A000, s8;
	s26 =	smul.u32 $0x180, s25;
	[dreg:$0x17] =	wrdreg s15  }
0x26: {  	s13 =	sadd.s32 $0x10A800, s8;
	s14 =	smul.u32 $0x180, s11;
	[dreg:$0x19] =	wrdreg s19  }
0x27: {  	s7 =	sadd.s32 s3, s7;
	s23 =	sadd.s32 $0xDC000, s3;
	[dreg:$0x1a] =	wrdreg s20  }
0x28: {  	[dreg:$0x1c] =	wrdreg s24;
	s25 =	sadd.s32 $0x72000, s8;
	s11 =	simm.s32 $0x10000  }
0x29: {  	s15 =	simm.s32 $0x8000;
	s19 =	simm.s32 $0x4C00;
	[dreg:$0x15] =	wrdreg s7  }
0x2a: {  	s20 =	simm.s32 $0xC00;
	s6 =	sadd.s32 s0, s6;
	[dreg:$0x1d] =	wrdreg s25  }
0x2b: {  	s7 =	sadd.s32 $0xBE800, s8;
	[dreg:$0xe] =	wrdreg s6;
	s9 =	sadd.s32 s0, s9  }
0x2c: {  	s6 =	sshll.u32 s21, $0x8;
	s21 =	sadd.s32 $0x4C000, s8;
	[dreg:$0x12] =	wrdreg s9  }
0x2d: {  	s25 =	simm.s32 $0x5;
	s6 =	sadd.s32 s3, s6;
	[dreg:$0x1b] =	wrdreg s21  }
0x2e: {  	s9 =	sadd.s32 s3, s10;
	s10 =	sadd.s32 $0xE4800, s8;
	[dreg:$0x11] =	wrdreg s6  }
.Ltmp0:
0x2f: {  	[dreg:$0x13] =	wrdreg s9;
	s6 =	sadd.s32 s0, s26;
	(pc) =	sbr.rel .LBB2_1-.Ltmp0, $4  }
0x30: {  	s21 =	simm.s32 $0x3;
	s26 =	sadd.s32 $0x72800, s8;
	[dreg:$0x14] =	wrdreg s6  }
0x31: {  	s9 =	sadd.s32 $0xE4000, s8;
	s6 =	sadd.s32 s0, s14;
	[dreg:$0x1e] =	wrdreg s26  }
0x32: {  	s0 =	sadd.s32 $0x29400, s0;
	s14 =	simm.s32 $0x13000;
	[dreg:$0x16] =	wrdreg s6  }
0x33: {  	[dreg:$0x1f] =	wrdreg s0;
	s6 =	sadd.s32 $0xBE000, s8;
	s0 =	simm.s32 $0x6  }
.LBB2_3:
0x34: {  	s1 =	rddreg [dreg:$0x17]  }
0x35: {  	[hbm4b:s1+s2] =	stream.linear.scatter [tilespmem:s14], [sflag:$0x6], $0x9800, $0x38;
	[tilespmem:$0x1C800] =	vst v63  }
0x36: {  	_ =	swait.ge [sflag:s0], $0x9800  }
0x37: {  	[sflag:s0] =	ssyncset.done $0x0  }
0x38: {  	[sflag:s0] =	ssyncadd.s32 $0xFFFF6800  }
.LBB2_4:
0x39: {  	s1 =	simm.s32 @!p1 $0x0  }
0x3a: {  	s24 =	simm.s32 @!p1 $0x13000;
	s3 =	rddreg [dreg:$0x18];
	s29 =	sadd.s32 $0xFFFFFFFF, s29  }
0x3b: {  	[hbm4b:s3+s1] =	stream.linear.scatter @!p1 [tilespmem:s24], [sflag:$0x6], $0x9800, $0x38;
	[tilespmem:$0x1C800] =	vst v63  }
0x3c: {  	p2 =	sne.s32 s29, $0x0  }
.Ltmp1:
0x3d: {  	_ = 	snop;
	(pc) =	sbr.rel @!p2 .LBB2_5-.Ltmp1, $4  }
0x3e: {  	s1 =	simm.s32 @!p1 $0x6  }
0x3f: {  	_ =	swait.ge @!p1 [sflag:s1], $0x9800  }
0x40: {  	[sflag:s1] =	ssyncset.done @!p1 $0x0  }
0x41: {  	[sflag:s1] =	ssyncadd.s32 @!p1 $0xFFFF6800  }
.LBB2_1:
0x42: {  	s1 =	rddreg [dreg:$0x5]  }
0x43: {  	[tilespmem:s14], [sflag:$0x5] =	stream.linear.gather [hbm4b:s1+s2], $0x9800, $0x38;
	[tilespmem:$0x1C800] =	vst v63  }
0x44: {  	s24 =	rddreg [dreg:$0x6]  }
0x45: {  	[tilespmem:s2], [sflag:$0x1] =	stream.linear.gather [hbm4b:s24+s2], $0x8000, $0x38;
	[tilespmem:$0x1C800] =	vst v63  }
0x46: {  	s26 =	rddreg [dreg:$0x7]  }
0x47: {  	[tilespmem:s11], [sflag:$0x1] =	stream.linear.gather [hbm4b:s26+s2], $0x1800, $0x38;
	[tilespmem:$0x1C800] =	vst v63  }
0x48: {  	s3 =	rddreg [dreg:$0x8]  }
0x49: {  	[tilespmem:s15], [sflag:$0x2] =	stream.linear.gather [hbm4b:s3+s2], $0x8000, $0x38;
	[tilespmem:$0x1C800] =	vst v63  }
0x4a: {  	s24 =	rddreg [dreg:$0x9]  }
0x4b: {  	[tilespmem:s16], [sflag:$0x2] =	stream.linear.gather [hbm4b:s24+s2], $0x1800, $0x38;
	[tilespmem:$0x1C800] =	vst v63  }
0x4c: {  	_ =	swait.ge [sflag:s17], $0x8000  }
0x4d: {  	[sflag:s17] =	ssyncset.done $0x0  }
0x4e: {  	[sflag:s17] =	ssyncadd.s32 $0xFFFF8000  }
0x4f: {  	_ =	swait.ge [sflag:s17], $0x1800  }
0x50: {  	[sflag:s17] =	ssyncset.done $0x0  }
0x51: {  	[sflag:s17] =	ssyncadd.s32 $0xFFFFE800  }
0x52: {  	[hbm4b:s8+s18] =	stream.strided.scatter [tilespmem:s2], [sflag:$0x3], $0x8000, s19, s18, $0x38;
	[tilespmem:$0x1C800] =	vst v63  }
0x53: {  	s26 =	rddreg [dreg:$0x19]  }
0x54: {  	[hbm4b:s26+s20] =	stream.strided.scatter [tilespmem:s11], [sflag:$0x3], $0x1800, s19, s20, $0x38;
	[tilespmem:$0x1C800] =	vst v63  }
0x55: {  	_ =	swait.ge [sflag:s21], $0x8000  }
0x56: {  	[sflag:s21] =	ssyncset.done $0x0  }
0x57: {  	[sflag:s21] =	ssyncadd.s32 $0xFFFF8000  }
0x58: {  	_ =	swait.ge [sflag:s21], $0x1800  }
0x59: {  	[sflag:s21] =	ssyncset.done $0x0  }
0x5a: {  	s3 =	rddreg [dreg:$0xa];
	[sflag:s21] =	ssyncadd.s32 $0xFFFFE800  }
0x5b: {  	[tilespmem:s2], [sflag:$0x1] =	stream.linear.gather [hbm4b:s3+s2], $0x8000, $0x38;
	[tilespmem:$0x1C800] =	vst v63  }
0x5c: {  	s24 =	rddreg [dreg:$0xb]  }
0x5d: {  	[tilespmem:s11], [sflag:$0x1] =	stream.linear.gather [hbm4b:s24+s2], $0x1800, $0x38;
	[tilespmem:$0x1C800] =	vst v63  }
0x5e: {  	_ =	swait.ge [sflag:s28], $0x8000  }
0x5f: {  	[sflag:s28] =	ssyncset.done $0x0  }
0x60: {  	[sflag:s28] =	ssyncadd.s32 $0xFFFF8000  }
0x61: {  	_ =	swait.ge [sflag:s28], $0x1800  }
0x62: {  	[sflag:s28] =	ssyncset.done $0x0  }
0x63: {  	s26 =	rddreg [dreg:$0xc];
	[sflag:s28] =	ssyncadd.s32 $0xFFFFE800  }
0x64: {  	[hbm4b:s26+s18] =	stream.strided.scatter [tilespmem:s15], [sflag:$0x4], $0x8000, s19, s18, $0x38;
	[tilespmem:$0x1C800] =	vst v63  }
0x65: {  	s3 =	rddreg [dreg:$0x1a]  }
0x66: {  	[hbm4b:s3+s20] =	stream.strided.scatter [tilespmem:s16], [sflag:$0x4], $0x1800, s19, s20, $0x38;
	[tilespmem:$0x1C800] =	vst v63  }
0x67: {  	_ =	swait.ge [sflag:s30], $0x8000  }
0x68: {  	[sflag:s30] =	ssyncset.done $0x0  }
0x69: {  	[sflag:s30] =	ssyncadd.s32 $0xFFFF8000  }
0x6a: {  	_ =	swait.ge [sflag:s30], $0x1800  }
0x6b: {  	[sflag:s30] =	ssyncset.done $0x0  }
0x6c: {  	s24 =	rddreg [dreg:$0xd];
	[sflag:s30] =	ssyncadd.s32 $0xFFFFE800  }
0x6d: {  	[tilespmem:s15], [sflag:$0x2] =	stream.linear.gather [hbm4b:s24+s2], $0x8000, $0x38;
	[tilespmem:$0x1C800] =	vst v63  }
0x6e: {  	s26 =	rddreg [dreg:$0xe]  }
0x6f: {  	[tilespmem:s16], [sflag:$0x2] =	stream.linear.gather [hbm4b:s26+s2], $0x1800, $0x38;
	[tilespmem:$0x1C800] =	vst v63  }
0x70: {  	_ =	swait.ge [sflag:s17], $0x8000  }
0x71: {  	[sflag:s17] =	ssyncset.done $0x0  }
0x72: {  	[sflag:s17] =	ssyncadd.s32 $0xFFFF8000  }
0x73: {  	_ =	swait.ge [sflag:s17], $0x1800  }
0x74: {  	[sflag:s17] =	ssyncset.done $0x0  }
0x75: {  	s3 =	rddreg [dreg:$0x1b];
	[sflag:s17] =	ssyncadd.s32 $0xFFFFE800  }
0x76: {  	[hbm4b:s3+s18] =	stream.strided.scatter [tilespmem:s2], [sflag:$0x3], $0x8000, s19, s18, $0x38;
	[tilespmem:$0x1C800] =	vst v63  }
0x77: {  	s24 =	rddreg [dreg:$0x1c]  }
0x78: {  	[hbm4b:s24+s20] =	stream.strided.scatter [tilespmem:s11], [sflag:$0x3], $0x1800, s19, s20, $0x38;
	[tilespmem:$0x1C800] =	vst v63  }
0x79: {  	_ =	swait.ge [sflag:s21], $0x8000  }
0x7a: {  	[sflag:s21] =	ssyncset.done $0x0  }
0x7b: {  	[sflag:s21] =	ssyncadd.s32 $0xFFFF8000  }
0x7c: {  	_ =	swait.ge [sflag:s21], $0x1800  }
0x7d: {  	[sflag:s21] =	ssyncset.done $0x0  }
0x7e: {  	s26 =	rddreg [dreg:$0xf];
	[sflag:s21] =	ssyncadd.s32 $0xFFFFE800  }
0x7f: {  	[tilespmem:s2], [sflag:$0x1] =	stream.linear.gather [hbm4b:s26+s2], $0x8000, $0x38;
	[tilespmem:$0x1C800] =	vst v63  }
0x80: {  	s3 =	rddreg [dreg:$0x10]  }
0x81: {  	[tilespmem:s11], [sflag:$0x1] =	stream.linear.gather [hbm4b:s3+s2], $0x1800, $0x38;
	[tilespmem:$0x1C800] =	vst v63  }
0x82: {  	_ =	swait.ge [sflag:s28], $0x8000  }
0x83: {  	[sflag:s28] =	ssyncset.done $0x0  }
0x84: {  	[sflag:s28] =	ssyncadd.s32 $0xFFFF8000  }
0x85: {  	_ =	swait.ge [sflag:s28], $0x1800  }
0x86: {  	[sflag:s28] =	ssyncset.done $0x0  }
0x87: {  	s24 =	rddreg [dreg:$0x1d];
	[sflag:s28] =	ssyncadd.s32 $0xFFFFE800  }
0x88: {  	[hbm4b:s24+s18] =	stream.strided.scatter [tilespmem:s15], [sflag:$0x4], $0x8000, s19, s18, $0x38;
	[tilespmem:$0x1C800] =	vst v63  }
0x89: {  	s26 =	rddreg [dreg:$0x1e]  }
0x8a: {  	[hbm4b:s26+s20] =	stream.strided.scatter [tilespmem:s16], [sflag:$0x4], $0x1800, s19, s20, $0x38;
	[tilespmem:$0x1C800] =	vst v63  }
0x8b: {  	_ =	swait.ge [sflag:s30], $0x8000  }
0x8c: {  	[sflag:s30] =	ssyncset.done $0x0  }
0x8d: {  	[sflag:s30] =	ssyncadd.s32 $0xFFFF8000  }
0x8e: {  	_ =	swait.ge [sflag:s30], $0x1800  }
0x8f: {  	[sflag:s30] =	ssyncset.done $0x0  }
0x90: {  	s3 =	rddreg [dreg:$0x11];
	[sflag:s30] =	ssyncadd.s32 $0xFFFFE800  }
0x91: {  	[tilespmem:s15], [sflag:$0x2] =	stream.linear.gather [hbm4b:s3+s2], $0x8000, $0x38;
	[tilespmem:$0x1C800] =	vst v63  }
0x92: {  	s24 =	rddreg [dreg:$0x12]  }
0x93: {  	[tilespmem:s16], [sflag:$0x2] =	stream.linear.gather [hbm4b:s24+s2], $0x1800, $0x38;
	[tilespmem:$0x1C800] =	vst v63  }
0x94: {  	_ =	swait.ge [sflag:s17], $0x8000  }
0x95: {  	[sflag:s17] =	ssyncset.done $0x0  }
0x96: {  	[sflag:s17] =	ssyncadd.s32 $0xFFFF8000  }
0x97: {  	_ =	swait.ge [sflag:s17], $0x1800  }
0x98: {  	[sflag:s17] =	ssyncset.done $0x0  }
0x99: {  	[sflag:s17] =	ssyncadd.s32 $0xFFFFE800  }
0x9a: {  	[hbm4b:s4+s18] =	stream.strided.scatter [tilespmem:s2], [sflag:$0x3], $0x8000, s19, s18, $0x38;
	[tilespmem:$0x1C800] =	vst v63  }
0x9b: {  	_ = 	snop  }
0x9c: {  	[hbm4b:s5+s20] =	stream.strided.scatter [tilespmem:s11], [sflag:$0x3], $0x1800, s19, s20, $0x38;
	[tilespmem:$0x1C800] =	vst v63  }
0x9d: {  	_ =	swait.ge [sflag:s21], $0x8000  }
0x9e: {  	[sflag:s21] =	ssyncset.done $0x0  }
0x9f: {  	[sflag:s21] =	ssyncadd.s32 $0xFFFF8000  }
0xa0: {  	_ =	swait.ge [sflag:s21], $0x1800  }
0xa1: {  	[sflag:s21] =	ssyncset.done $0x0  }
0xa2: {  	s26 =	rddreg [dreg:$0x13];
	[sflag:s21] =	ssyncadd.s32 $0xFFFFE800  }
0xa3: {  	[tilespmem:s2], [sflag:$0x1] =	stream.linear.gather [hbm4b:s26+s2], $0x8000, $0x38;
	[tilespmem:$0x1C800] =	vst v63  }
0xa4: {  	s3 =	rddreg [dreg:$0x14]  }
0xa5: {  	[tilespmem:s11], [sflag:$0x1] =	stream.linear.gather [hbm4b:s3+s2], $0x1800, $0x38;
	[tilespmem:$0x1C800] =	vst v63  }
0xa6: {  	_ =	swait.ge [sflag:s28], $0x8000  }
0xa7: {  	[sflag:s28] =	ssyncset.done $0x0  }
0xa8: {  	[sflag:s28] =	ssyncadd.s32 $0xFFFF8000  }
0xa9: {  	_ =	swait.ge [sflag:s28], $0x1800  }
0xaa: {  	[sflag:s28] =	ssyncset.done $0x0  }
0xab: {  	[sflag:s28] =	ssyncadd.s32 $0xFFFFE800  }
0xac: {  	[hbm4b:s6+s18] =	stream.strided.scatter [tilespmem:s15], [sflag:$0x4], $0x8000, s19, s18, $0x38;
	[tilespmem:$0x1C800] =	vst v63  }
0xad: {  	_ = 	snop  }
0xae: {  	[hbm4b:s7+s20] =	stream.strided.scatter [tilespmem:s16], [sflag:$0x4], $0x1800, s19, s20, $0x38;
	[tilespmem:$0x1C800] =	vst v63  }
0xaf: {  	_ =	swait.ge [sflag:s30], $0x8000  }
0xb0: {  	[sflag:s30] =	ssyncset.done $0x0  }
0xb1: {  	[sflag:s30] =	ssyncadd.s32 $0xFFFF8000  }
0xb2: {  	_ =	swait.ge [sflag:s30], $0x1800  }
0xb3: {  	[sflag:s30] =	ssyncset.done $0x0  }
0xb4: {  	s24 =	rddreg [dreg:$0x15];
	[sflag:s30] =	ssyncadd.s32 $0xFFFFE800  }
0xb5: {  	[tilespmem:s15], [sflag:$0x2] =	stream.linear.gather [hbm4b:s24+s2], $0x8000, $0x38;
	[tilespmem:$0x1C800] =	vst v63  }
0xb6: {  	s26 =	rddreg [dreg:$0x16]  }
0xb7: {  	[tilespmem:s16], [sflag:$0x2] =	stream.linear.gather [hbm4b:s26+s2], $0x1800, $0x38;
	[tilespmem:$0x1C800] =	vst v63  }
0xb8: {  	_ =	swait.ge [sflag:s17], $0x8000  }
0xb9: {  	[sflag:s17] =	ssyncset.done $0x0  }
0xba: {  	[sflag:s17] =	ssyncadd.s32 $0xFFFF8000  }
0xbb: {  	_ =	swait.ge [sflag:s17], $0x1800  }
0xbc: {  	[sflag:s17] =	ssyncset.done $0x0  }
0xbd: {  	[sflag:s17] =	ssyncadd.s32 $0xFFFFE800  }
0xbe: {  	[hbm4b:s9+s18] =	stream.strided.scatter [tilespmem:s2], [sflag:$0x3], $0x8000, s19, s18, $0x38;
	[tilespmem:$0x1C800] =	vst v63  }
0xbf: {  	_ = 	snop  }
0xc0: {  	[hbm4b:s10+s20] =	stream.strided.scatter [tilespmem:s11], [sflag:$0x3], $0x1800, s19, s20, $0x38;
	[tilespmem:$0x1C800] =	vst v63  }
0xc1: {  	_ =	swait.ge [sflag:s21], $0x8000  }
0xc2: {  	[sflag:s21] =	ssyncset.done $0x0  }
0xc3: {  	[sflag:s21] =	ssyncadd.s32 $0xFFFF8000  }
0xc4: {  	_ =	swait.ge [sflag:s21], $0x1800  }
0xc5: {  	[sflag:s21] =	ssyncset.done $0x0  }
0xc6: {  	[sflag:s21] =	ssyncadd.s32 $0xFFFFE800  }
0xc7: {  	_ =	swait.ge [sflag:s28], $0x8000  }
0xc8: {  	[sflag:s28] =	ssyncset.done $0x0  }
0xc9: {  	[sflag:s28] =	ssyncadd.s32 $0xFFFF8000  }
0xca: {  	_ =	swait.ge [sflag:s28], $0x1800  }
0xcb: {  	[sflag:s28] =	ssyncset.done $0x0  }
0xcc: {  	[sflag:s28] =	ssyncadd.s32 $0xFFFFE800  }
0xcd: {  	[hbm4b:s12+s18] =	stream.strided.scatter [tilespmem:s15], [sflag:$0x4], $0x8000, s19, s18, $0x38;
	[tilespmem:$0x1C800] =	vst v63  }
0xce: {  	_ = 	snop  }
0xcf: {  	[hbm4b:s13+s20] =	stream.strided.scatter [tilespmem:s16], [sflag:$0x4], $0x1800, s19, s20, $0x38;
	[tilespmem:$0x1C800] =	vst v63  }
0xd0: {  	_ =	swait.ge [sflag:s30], $0x8000  }
0xd1: {  	[sflag:s30] =	ssyncset.done $0x0  }
0xd2: {  	[sflag:s30] =	ssyncadd.s32 $0xFFFF8000  }
0xd3: {  	_ =	swait.ge [sflag:s30], $0x1800  }
.Ltmp2:
0xd4: {  	[sflag:s30] =	ssyncset.done $0x0;
	(pc) =	sbr.rel @p0 .LBB2_3-.Ltmp2, $4  }
0xd5: {  	[sflag:s30] =	ssyncadd.s32 $0xFFFFE800  }
0xd6: {  	_ =	swait.ge [sflag:s25], $0x9800  }
0xd7: {  	[sflag:s25] =	ssyncset.done $0x0  }
0xd8: {  	[sflag:s25] =	ssyncadd.s32 $0xFFFF6800  }
0xd9: {  	[hbm4b:s22+s2] =	stream.linear.scatter [tilespmem:s14], [sflag:$0x6], $0x9800, $0x38;
	[tilespmem:$0x1C800] =	vst v63  }
0xda: {  	_ =	swait.ge [sflag:s0], $0x9800  }
0xdb: {  	[sflag:s0] =	ssyncset.done $0x0  }
0xdc: {  	[sflag:s0] =	ssyncadd.s32 $0xFFFF6800  }
0xdd: {  	[tilespmem:s2], [sflag:$0x6] =	stream.linear.gather [hbm4b:s23+s2], $0x80, $0x38;
	[tilespmem:$0x1C800] =	vst v63  }
0xde: {  	s1 =	sadd.s32 $0x80, s23;
	s25 =	simm.s32 $0x400  }
0xdf: {  	[tilespmem:s25], [sflag:$0x6] =	stream.linear.gather [hbm4b:s1+s2], $0x80, $0x38;
	[tilespmem:$0x1C800] =	vst v63  }
0xe0: {  	s24 =	sadd.s32 $0x100, s23;
	s3 =	simm.s32 $0x800  }
0xe1: {  	[tilespmem:s3], [sflag:$0x6] =	stream.linear.gather [hbm4b:s24+s2], $0x80, $0x38;
	[tilespmem:$0x1C800] =	vst v63  }
0xe2: {  	s26 =	sadd.s32 $0x180, s23  }
0xe3: {  	[tilespmem:s20], [sflag:$0x6] =	stream.linear.gather [hbm4b:s26+s2], $0x80, $0x38;
	[tilespmem:$0x1C800] =	vst v63  }
0xe4: {  	s14 =	simm.s32 $0x1000;
	s3 =	sadd.s32 $0x200, s23  }
0xe5: {  	[tilespmem:s14], [sflag:$0x6] =	stream.linear.gather [hbm4b:s3+s2], $0x80, $0x38;
	[tilespmem:$0x1C800] =	vst v63  }
0xe6: {  	s24 =	sadd.s32 $0x280, s23;
	s26 =	simm.s32 $0x1400  }
0xe7: {  	[tilespmem:s26], [sflag:$0x6] =	stream.linear.gather [hbm4b:s24+s2], $0x80, $0x38;
	[tilespmem:$0x1C800] =	vst v63  }
0xe8: {  	s14 =	sadd.s32 $0x300, s23;
	s24 =	simm.s32 $0x1800  }
0xe9: {  	[tilespmem:s24], [sflag:$0x6] =	stream.linear.gather [hbm4b:s14+s2], $0x80, $0x38;
	[tilespmem:$0x1C800] =	vst v63  }
0xea: {  	s3 =	simm.s32 $0x1C00;
	s26 =	sadd.s32 $0x380, s23  }
0xeb: {  	[tilespmem:s3], [sflag:$0x6] =	stream.linear.gather [hbm4b:s26+s2], $0x80, $0x38;
	[tilespmem:$0x1C800] =	vst v63  }
0xec: {  	s14 =	sadd.s32 $0x400, s23;
	s24 =	simm.s32 $0x2000  }
0xed: {  	[tilespmem:s24], [sflag:$0x6] =	stream.linear.gather [hbm4b:s14+s2], $0x80, $0x38;
	[tilespmem:$0x1C800] =	vst v63  }
0xee: {  	s26 =	sadd.s32 $0x480, s23  }
0xef: {  	[tilespmem:s31], [sflag:$0x6] =	stream.linear.gather [hbm4b:s26+s2], $0x80, $0x38;
	[tilespmem:$0x1C800] =	vst v63  }
0xf0: {  	s14 =	sadd.s32 $0x500, s23;
	s26 =	simm.s32 $0x2800  }
0xf1: {  	[tilespmem:s26], [sflag:$0x6] =	stream.linear.gather [hbm4b:s14+s2], $0x80, $0x38;
	[tilespmem:$0x1C800] =	vst v63  }
0xf2: {  	s26 =	sadd.s32 $0x580, s23;
	s14 =	simm.s32 $0x2C00  }
0xf3: {  	[tilespmem:s14], [sflag:$0x6] =	stream.linear.gather [hbm4b:s26+s2], $0x80, $0x38;
	[tilespmem:$0x1C800] =	vst v63  }
0xf4: {  	s26 =	sadd.s32 $0x600, s23;
	s14 =	simm.s32 $0x3000  }
0xf5: {  	[tilespmem:s14], [sflag:$0x6] =	stream.linear.gather [hbm4b:s26+s2], $0x80, $0x38;
	[tilespmem:$0x1C800] =	vst v63  }
0xf6: {  	s26 =	sadd.s32 $0x680, s23;
	s14 =	simm.s32 $0x3400  }
0xf7: {  	[tilespmem:s14], [sflag:$0x6] =	stream.linear.gather [hbm4b:s26+s2], $0x80, $0x38;
	[tilespmem:$0x1C800] =	vst v63  }
0xf8: {  	s26 =	sadd.s32 $0x700, s23;
	s14 =	simm.s32 $0x3800  }
0xf9: {  	[tilespmem:s14], [sflag:$0x6] =	stream.linear.gather [hbm4b:s26+s2], $0x80, $0x38;
	[tilespmem:$0x1C800] =	vst v63  }
0xfa: {  	s26 =	sadd.s32 $0x780, s23;
	s14 =	simm.s32 $0x3C00  }
0xfb: {  	[tilespmem:s14], [sflag:$0x6] =	stream.linear.gather [hbm4b:s26+s2], $0x80, $0x38;
	[tilespmem:$0x1C800] =	vst v63  }
0xfc: {  	_ =	swait.ge [sflag:s0], $0x800  }
0xfd: {  	[sflag:s0] =	ssyncset.done $0x0  }
0xfe: {  	s26 =	rddreg [dreg:$0x1f];
	[sflag:s0] =	ssyncadd.s32 $0xFFFFF800  }
0xff: {  	[tilespmem:s11], [sflag:$0x6] =	stream.linear.gather [hbm4b:s26+s2], $0x80, $0x38;
	[tilespmem:$0x1C800] =	vst v63  }
0x100: {  	s14 =	simm.s32 $0x10400;
	s1 =	sadd.s32 $0x80, s26  }
0x101: {  	[tilespmem:s14], [sflag:$0x6] =	stream.linear.gather [hbm4b:s1+s2], $0x80, $0x38;
	[tilespmem:$0x1C800] =	vst v63  }
0x102: {  	s14 =	sadd.s32 $0x100, s26;
	s26 =	simm.s32 $0x10800  }
0x103: {  	[tilespmem:s26], [sflag:$0x6] =	stream.linear.gather [hbm4b:s14+s2], $0x80, $0x38;
	[tilespmem:$0x1C800] =	vst v63  }
0x104: {  	_ =	swait.ge [sflag:s0], $0x180  }
0x105: {  	[sflag:s0] =	ssyncset.done $0x0  }
0x106: {  	[sflag:s0] =	ssyncadd.s32 $0xFFFFFE80  }
0x107: {  	[hbm4b:s22+s2] =	stream.linear.scatter [tilespmem:s2], [sflag:$0x6], $0x80, $0x38;
	[tilespmem:$0x1C800] =	vst v63  }
0x108: {  	s14 =	sadd.s32 $0x80, s22  }
0x109: {  	[hbm4b:s14+s2] =	stream.linear.scatter [tilespmem:s25], [sflag:$0x6], $0x80, $0x38;
	[tilespmem:$0x1C800] =	vst v63  }
0x10a: {  	s26 =	simm.s32 $0x800;
	s25 =	sadd.s32 $0x100, s22  }
0x10b: {  	[hbm4b:s25+s2] =	stream.linear.scatter [tilespmem:s26], [sflag:$0x6], $0x80, $0x38;
	[tilespmem:$0x1C800] =	vst v63  }
0x10c: {  	s14 =	sadd.s32 $0x180, s22  }
0x10d: {  	[hbm4b:s14+s2] =	stream.linear.scatter [tilespmem:s20], [sflag:$0x6], $0x80, $0x38;
	[tilespmem:$0x1C800] =	vst v63  }
0x10e: {  	s25 =	sadd.s32 $0x200, s22;
	s26 =	simm.s32 $0x1000  }
0x10f: {  	[hbm4b:s25+s2] =	stream.linear.scatter [tilespmem:s26], [sflag:$0x6], $0x80, $0x38;
	[tilespmem:$0x1C800] =	vst v63  }
0x110: {  	s25 =	sadd.s32 $0x280, s22;
	s26 =	simm.s32 $0x1400  }
0x111: {  	[hbm4b:s25+s2] =	stream.linear.scatter [tilespmem:s26], [sflag:$0x6], $0x80, $0x38;
	[tilespmem:$0x1C800] =	vst v63  }
0x112: {  	s1 =	sadd.s32 $0x300, s22;
	s26 =	simm.s32 $0x1800  }
0x113: {  	[hbm4b:s1+s2] =	stream.linear.scatter [tilespmem:s26], [sflag:$0x6], $0x80, $0x38;
	[tilespmem:$0x1C800] =	vst v63  }
0x114: {  	s26 =	sadd.s32 $0x380, s22  }
0x115: {  	[hbm4b:s26+s2] =	stream.linear.scatter [tilespmem:s3], [sflag:$0x6], $0x80, $0x38;
	[tilespmem:$0x1C800] =	vst v63  }
0x116: {  	s26 =	sadd.s32 $0x400, s22  }
0x117: {  	[hbm4b:s26+s2] =	stream.linear.scatter [tilespmem:s24], [sflag:$0x6], $0x80, $0x38;
	[tilespmem:$0x1C800] =	vst v63  }
0x118: {  	s3 =	sadd.s32 $0x480, s22  }
0x119: {  	[hbm4b:s3+s2] =	stream.linear.scatter [tilespmem:s31], [sflag:$0x6], $0x80, $0x38;
	[tilespmem:$0x1C800] =	vst v63  }
0x11a: {  	s24 =	sadd.s32 $0x500, s22;
	s26 =	simm.s32 $0x2800  }
0x11b: {  	[hbm4b:s24+s2] =	stream.linear.scatter [tilespmem:s26], [sflag:$0x6], $0x80, $0x38;
	[tilespmem:$0x1C800] =	vst v63  }
0x11c: {  	s24 =	sadd.s32 $0x580, s22;
	s26 =	simm.s32 $0x2C00  }
0x11d: {  	[hbm4b:s24+s2] =	stream.linear.scatter [tilespmem:s26], [sflag:$0x6], $0x80, $0x38;
	[tilespmem:$0x1C800] =	vst v63  }
0x11e: {  	s24 =	sadd.s32 $0x600, s22;
	s26 =	simm.s32 $0x3000  }
0x11f: {  	[hbm4b:s24+s2] =	stream.linear.scatter [tilespmem:s26], [sflag:$0x6], $0x80, $0x38;
	[tilespmem:$0x1C800] =	vst v63  }
0x120: {  	s24 =	sadd.s32 $0x680, s22;
	s26 =	simm.s32 $0x3400  }
0x121: {  	[hbm4b:s24+s2] =	stream.linear.scatter [tilespmem:s26], [sflag:$0x6], $0x80, $0x38;
	[tilespmem:$0x1C800] =	vst v63  }
0x122: {  	s24 =	sadd.s32 $0x700, s22;
	s26 =	simm.s32 $0x3800  }
0x123: {  	[hbm4b:s24+s2] =	stream.linear.scatter [tilespmem:s26], [sflag:$0x6], $0x80, $0x38;
	[tilespmem:$0x1C800] =	vst v63  }
0x124: {  	s24 =	sadd.s32 $0x780, s22;
	s26 =	simm.s32 $0x3C00  }
0x125: {  	[hbm4b:s24+s2] =	stream.linear.scatter [tilespmem:s26], [sflag:$0x6], $0x80, $0x38;
	[tilespmem:$0x1C800] =	vst v63  }
0x126: {  	_ =	swait.ge [sflag:s0], $0x800  }
0x127: {  	s3 =	sld [smem:$0x7FD]  }
0x128: {  	[sflag:s0] =	ssyncset.done $0x0  }
0x129: {  	[sflag:s0] =	ssyncadd.s32 $0xFFFFF800  }
0x12a: {  	[hbm4b:s3+s2] =	stream.linear.scatter [tilespmem:s11], [sflag:$0x6], $0x80, $0x38;
	[tilespmem:$0x1C800] =	vst v63  }
0x12b: {  	s26 =	simm.s32 $0x10400;
	s24 =	sadd.s32 $0x80, s3  }
0x12c: {  	[hbm4b:s24+s2] =	stream.linear.scatter [tilespmem:s26], [sflag:$0x6], $0x80, $0x38;
	[tilespmem:$0x1C800] =	vst v63  }
.Ltmp3:
0x12d: {  	s24 =	sadd.s32 $0x100, s3;
	s26 =	simm.s32 $0x10800;
	(pc) =	sbr.rel .LBB2_4-.Ltmp3, $4  }
0x12e: {  	[hbm4b:s24+s2] =	stream.linear.scatter [tilespmem:s26], [sflag:$0x6], $0x80, $0x38;
	[tilespmem:$0x1C800] =	vst v63  }
0x12f: {  	_ =	swait.ge [sflag:s0], $0x180  }
0x130: {  	[sflag:s0] =	ssyncset.done $0x0  }
0x131: {  	s14 =	simm.s32 $0x13000;
	s25 =	simm.s32 $0x5;
	[sflag:s0] =	ssyncadd.s32 $0xFFFFFE80  }
.LBB2_5:
0x132: {  	_ =	sfence.sel $0x180000  }
0x133: {  	[bflag:$0x0] =	sbarrier.arrive $0xFFFF  }
0x134: {  	_ =	strace $0x90000047  }
0x135: {  	s0 =	stileid.u32;
	[bflag:$0x2] =	sbarrier.arrive $0xFFFF  }
0x136: {  	p0 =	sne.s32 s0, $0x0;
	s0 =	rddreg [dreg:$0x4]  }
0x137: {  	s0 =	sadd.s32 @!p0 $0x100000, s0  }
0x138: {  	[sflag:s0] =	ssyncadd.tile.s32 @!p0 $0x1;
	_ =	shalt  }
.Lfunc_end2:
_tile_overlayer_lowered:
.L_overlay_start_2:
0x139: {  	(tag) =	ssettag $0x2  }
0x13a: {  	s0 =	rddreg [dreg:$0x0];
	s2 =	stileid.u32  }
0x13b: {  	s1 =	rddreg [dreg:$0x1];
	p0 =	sne.s32 s2, $0x0  }
0x13c: {  	s3 =	rddreg [dreg:$0x2];
	[bflag:$0x3] =	sbarrier.arrive $0xFFFF;
	s2 =	simm.s32 @!p0 $0x1C06  }
0x13d: {  	[timem:s3], [sflag:s2] =	dma.local @!p0 [hbm:s0], s1  }
0x13e: {  	s0 =	simm.s32 @!p0 $0x6  }
0x13f: {  	_ =	swait.ge @!p0 [sflag:s0], s1  }
0x140: {  	s1 =	ssub.s32 @!p0 $0x0, s1;
	[sflag:s0] =	ssyncset.done @!p0 $0x0  }
0x141: {  	[sflag:s0] =	ssyncadd.s32 @!p0 s1  }
0x142: {  	[bflag:$0x3] =	sbarrier.arrive $0xFFFF  }
0x143: {  	_ =	shalt  }

</sc_bundles>
